<compile_context>
chip_gen: v7x
topology: tpu7x:2x2x1
jax: 0.10.2.dev20260603
libtpu: 0.0.44.dev20260713+nightly
codegen_flags: <defaults>
</compile_context>

<pallas_src>
import jax
import jax.numpy as jnp
from jax import lax
from jax.experimental import pallas as pl
from jax.experimental.pallas import tpu as pltpu
from jax.experimental.pallas import tpu_sc as plsc

_XR, _XC = 262144, 256
_ZR, _ZC = 16384, 1024
_BX = 8192
_NW = 32
_ZROWS = _ZR // _NW
_ZCH = 32
_NCH = _ZROWS // _ZCH
_NB = 3


def _x_kernel(x_ref, y_ref, xo_ref):
    i = pl.program_id(0)
    xo_ref[...] = x_ref[...]

    @pl.when(i == 0)
    def _patch():
        xo_ref[pl.ds(10, 1), :] = y_ref[pl.ds(0, 1), :]
        xo_ref[pl.ds(2, 1), :] = y_ref[pl.ds(1, 1), :]
        xo_ref[pl.ds(1, 1), :] = jnp.full((1, _XC), 45.0, jnp.float32)


def _z_body(z_hbm, w_hbm, zo_hbm, bufs, wv, isem, osem, wsem):
    wid = lax.axis_index("s") * 2 + lax.axis_index("c")
    base = wid * _ZROWS
    ins, outs = [], []

    def start_in(k):
        b = k % _NB
        c = pltpu.make_async_copy(z_hbm.at[pl.ds(base + k * _ZCH, _ZCH), :],
                                  bufs.at[b], isem.at[b])
        c.start()
        ins.append(c)

    for k in range(_NB):
        start_in(k)

    @pl.when(wid == 0)
    def _stage_w():
        cw = pltpu.make_async_copy(w_hbm, wv.at[pl.ds(0, 3)], wsem)
        cw.start()
        cw.wait()

    for k in range(_NCH):
        b = k % _NB
        ins[k].wait()
        if k == 0:
            @pl.when(wid == 0)
            def _patch():
                lane = lax.broadcasted_iota(jnp.int32, (16,), 0)
                wvv = wv[...]
                w0s, w1s, w2s = wvv[0], wvv[1], wvv[2]
                zero = jnp.zeros((16,), jnp.float32)
                row0 = bufs[0, 0, pl.ds(0, 16)]
                bufs[0, 0, pl.ds(0, 16)] = (row0
                                            + jnp.where(lane == 1, w2s, zero)
                                            + jnp.where(lane == 2, w1s, zero))
                row1 = bufs[0, 1, pl.ds(0, 16)]
                bufs[0, 1, pl.ds(0, 16)] = row1 + jnp.where(lane == 3, w0s, zero)
        co = pltpu.make_async_copy(bufs.at[b],
                                   zo_hbm.at[pl.ds(base + k * _ZCH, _ZCH), :],
                                   osem.at[b])
        co.start()
        outs.append(co)
        if k + _NB < _NCH:
            outs[k].wait()
            start_in(k + _NB)
    for k in range(_NCH - _NB, _NCH):
        outs[k].wait()


def kernel(x, y, z, w):
    zc = pl.kernel(
        _z_body,
        mesh=plsc.VectorSubcoreMesh(core_axis_name="c", subcore_axis_name="s"),
        out_type=jax.ShapeDtypeStruct((_ZR, _ZC), jnp.float32),
        scratch_types=[
            pltpu.VMEM((_NB, _ZCH, _ZC), jnp.float32),
            pltpu.VMEM((16,), jnp.float32),
            pltpu.SemaphoreType.DMA((_NB,)),
            pltpu.SemaphoreType.DMA((_NB,)),
            pltpu.SemaphoreType.DMA,
        ],
    )
    zo = zc(z, w)
    xo = pl.pallas_call(
        _x_kernel,
        grid=(_XR // _BX,),
        in_specs=[
            pl.BlockSpec((_BX, _XC), lambda i: (i, 0)),
            pl.BlockSpec((2, _XC), lambda i: (0, 0)),
        ],
        out_specs=pl.BlockSpec((_BX, _XC), lambda i: (i, 0)),
        out_shape=jax.ShapeDtypeStruct((_XR, _XC), jnp.float32),
    )(x, y)
    return (xo, zo)

# --- scband reference (transcript-rebuilt; emitter-appended) ---
"""Pipeline reference for scband-model-8753143349592 (READ-ONLY COPY).

The authoritative reference and input builder live on the scoring server;
editing this copy changes nothing except your own understanding.
"""

import jax, jax.numpy as jnp
import numpy as np

def setup_inputs(seed: int = 0) -> dict:
    key = jax.random.key(seed)
    k1, k2, k3, k4 = jax.random.split(key, 4)
    x = jax.random.normal(k1, (262144, 256), dtype=jnp.float32)
    y = jax.random.normal(k2, (2, 256), dtype=jnp.float32)
    z = jax.random.normal(k3, (16384, 1024), dtype=jnp.float32)
    w = jax.random.normal(k4, (3,), dtype=jnp.float32)
    return {"x": x, "y": y, "z": z, "w": w}

def reference(x, y, z, w):
    # x = x.clone(); x.index_put_([tensor([10,2])], y, accumulate=False)
    idx_x = jnp.array([10, 2], dtype=jnp.int32)
    x = x.at[idx_x].set(y)
    # z = z.clone(); z.index_put_([tensor([1,0,0]), tensor([3,2,1])], w, accumulate=True)
    i0 = jnp.array([1, 0, 0], dtype=jnp.int32)
    i1 = jnp.array([3, 2, 1], dtype=jnp.int32)
    z = z.at[(i0, i1)].add(w)
    # x[tensor([1])] = 45.0
    x = x.at[jnp.array([1], dtype=jnp.int32)].set(jnp.float32(45.0))
    # x[tensor([], dtype=int64)] = 233.0  -> no-op (empty index set)
    return (x, z)

if __name__ == "__main__":
    import jax
    _d = setup_inputs()
    print(jax.jit(kernel)(*tuple(_d.values())))

</pallas_src>

<mosaic_0001>
#map = affine_map<(d0, d1) -> (0, 0)>
#map1 = affine_map<(d0, d1) -> (0)>
module attributes {stable_mosaic.version = 14 : i64} {
  func.func @_z_body(%arg0: i32, %arg1: i32, %arg2: memref<16384x1024xf32, #tpu.memory_space<hbm>>, %arg3: memref<3xf32, #tpu.memory_space<hbm>>, %arg4: memref<16384x1024xf32, #tpu.memory_space<hbm>>, %arg5: memref<3x32x1024xf32, #tpu.memory_space<vmem>>, %arg6: memref<16xf32, #tpu.memory_space<vmem>>, %arg7: memref<3x!tpu.dma_semaphore, #tpu.memory_space<semaphore_mem>>, %arg8: memref<3x!tpu.dma_semaphore, #tpu.memory_space<semaphore_mem>>, %arg9: memref<!tpu.dma_semaphore, #tpu.memory_space<semaphore_mem>>) attributes {dimension_semantics = [#tpu.dimension_semantics<core_parallel>, #tpu.dimension_semantics<subcore_parallel>], iteration_bounds = array<i64: 2, 16>, scalar_prefetch = 0 : i64, scratch_operands = 5 : i64, tpu.core_type = #tpu.core_type<sc_vector_subcore>, window_params = [{transform_indices = #map}, {transform_indices = #map1}, {transform_indices = #map}]} {
    %mul3A = arith.constant 2 : i32
    %mul3A_0 = arith.muli %arg1, %mul3A : i32
    %add3A = arith.addi %mul3A_0, %arg0 : i32
    %mul3A_1 = arith.constant 512 : i32
    %mul3A_2 = arith.muli %add3A, %mul3A_1 : i32
    %add3A_3 = arith.constant 0 : i32
    %add3A_4 = arith.addi %mul3A_2, %add3A_3 : i32
    %dma_start3A = arith.constant 0 : i32
    %dma_start3A_5 = arith.constant 0 : i32
    %dma_start3A_6 = arith.constant 0 : i32
    %dma_start3A_7 = arith.constant 0 : i32
    %dma_start3A_8 = tpu.memref_slice %arg5[%dma_start3A, %dma_start3A_6, %dma_start3A_7] : memref<3x32x1024xf32, #tpu.memory_space<vmem>> -> memref<1x32x1024xf32, #tpu.memory_space<vmem>>
    %dma_start3A_9 = tpu.memref_squeeze %dma_start3A_8 : memref<1x32x1024xf32, #tpu.memory_space<vmem>> -> memref<32x1024xf32, #tpu.memory_space<vmem>>
    %dma_start3A_10 = arith.constant 0 : i32
    %dma_start3A_11 = tpu.memref_slice %arg2[%add3A_4, %dma_start3A_10] : memref<16384x1024xf32, #tpu.memory_space<hbm>> -> memref<32x1024xf32, #tpu.memory_space<hbm>>
    %dma_start3A_12 = tpu.memref_slice %arg7[%dma_start3A_5] : memref<3x!tpu.dma_semaphore, #tpu.memory_space<semaphore_mem>> -> memref<1x!tpu.dma_semaphore, #tpu.memory_space<semaphore_mem>>
    %dma_start3A_13 = tpu.memref_squeeze %dma_start3A_12 : memref<1x!tpu.dma_semaphore, #tpu.memory_space<semaphore_mem>> -> memref<!tpu.dma_semaphore, #tpu.memory_space<semaphore_mem>>
    %dma_start3A_14 = arith.constant 0 : i32
    %dma_start3A_15 = arith.constant 0 : i32
    %dma_start3A_16 = tpu.memref_slice %arg5[%dma_start3A, %dma_start3A_14, %dma_start3A_15] : memref<3x32x1024xf32, #tpu.memory_space<vmem>> -> memref<1x32x1024xf32, #tpu.memory_space<vmem>>
    %dma_start3A_17 = tpu.memref_squeeze %dma_start3A_16 : memref<1x32x1024xf32, #tpu.memory_space<vmem>> -> memref<32x1024xf32, #tpu.memory_space<vmem>>
    %dma_start3A_18 = arith.constant 0 : i32
    %dma_start3A_19 = tpu.memref_slice %arg2[%add3A_4, %dma_start3A_18] : memref<16384x1024xf32, #tpu.memory_space<hbm>> -> memref<32x1024xf32, #tpu.memory_space<hbm>>
    tpu.enqueue_dma source(%dma_start3A_19 : memref<32x1024xf32, #tpu.memory_space<hbm>>) target(%dma_start3A_17 : memref<32x1024xf32, #tpu.memory_space<vmem>>) target_semaphore(%dma_start3A_13 : memref<!tpu.dma_semaphore, #tpu.memory_space<semaphore_mem>>)
    %add3A_20 = arith.constant 32 : i32
    %add3A_21 = arith.addi %mul3A_2, %add3A_20 : i32
    %dma_start3A_22 = arith.constant 1 : i32
    %dma_start3A_23 = arith.constant 1 : i32
    %dma_start3A_24 = arith.constant 0 : i32
    %dma_start3A_25 = arith.constant 0 : i32
    %dma_start3A_26 = tpu.memref_slice %arg5[%dma_start3A_22, %dma_start3A_24, %dma_start3A_25] : memref<3x32x1024xf32, #tpu.memory_space<vmem>> -> memref<1x32x1024xf32, #tpu.memory_space<vmem>>
    %dma_start3A_27 = tpu.memref_squeeze %dma_start3A_26 : memref<1x32x1024xf32, #tpu.memory_space<vmem>> -> memref<32x1024xf32, #tpu.memory_space<vmem>>
    %dma_start3A_28 = arith.constant 0 : i32
    %dma_start3A_29 = tpu.memref_slice %arg2[%add3A_21, %dma_start3A_28] : memref<16384x1024xf32, #tpu.memory_space<hbm>> -> memref<32x1024xf32, #tpu.memory_space<hbm>>
    %dma_start3A_30 = tpu.memref_slice %arg7[%dma_start3A_23] : memref<3x!tpu.dma_semaphore, #tpu.memory_space<semaphore_mem>> -> memref<1x!tpu.dma_semaphore, #tpu.memory_space<semaphore_mem>>
    %dma_start3A_31 = tpu.memref_squeeze %dma_start3A_30 : memref<1x!tpu.dma_semaphore, #tpu.memory_space<semaphore_mem>> -> memref<!tpu.dma_semaphore, #tpu.memory_space<semaphore_mem>>
    %dma_start3A_32 = arith.constant 0 : i32
    %dma_start3A_33 = arith.constant 0 : i32
    %dma_start3A_34 = tpu.memref_slice %arg5[%dma_start3A_22, %dma_start3A_32, %dma_start3A_33] : memref<3x32x1024xf32, #tpu.memory_space<vmem>> -> memref<1x32x1024xf32, #tpu.memory_space<vmem>>
    %dma_start3A_35 = tpu.memref_squeeze %dma_start3A_34 : memref<1x32x1024xf32, #tpu.memory_space<vmem>> -> memref<32x1024xf32, #tpu.memory_space<vmem>>
    %dma_start3A_36 = arith.constant 0 : i32
    %dma_start3A_37 = tpu.memref_slice %arg2[%add3A_21, %dma_start3A_36] : memref<16384x1024xf32, #tpu.memory_space<hbm>> -> memref<32x1024xf32, #tpu.memory_space<hbm>>
    tpu.enqueue_dma source(%dma_start3A_37 : memref<32x1024xf32, #tpu.memory_space<hbm>>) target(%dma_start3A_35 : memref<32x1024xf32, #tpu.memory_space<vmem>>) target_semaphore(%dma_start3A_31 : memref<!tpu.dma_semaphore, #tpu.memory_space<semaphore_mem>>)
    %add3A_38 = arith.constant 64 : i32
    %add3A_39 = arith.addi %mul3A_2, %add3A_38 : i32
    %dma_start3A_40 = arith.constant 2 : i32
    %dma_start3A_41 = arith.constant 2 : i32
    %dma_start3A_42 = arith.constant 0 : i32
    %dma_start3A_43 = arith.constant 0 : i32
    %dma_start3A_44 = tpu.memref_slice %arg5[%dma_start3A_40, %dma_start3A_42, %dma_start3A_43] : memref<3x32x1024xf32, #tpu.memory_space<vmem>> -> memref<1x32x1024xf32, #tpu.memory_space<vmem>>
    %dma_start3A_45 = tpu.memref_squeeze %dma_start3A_44 : memref<1x32x1024xf32, #tpu.memory_space<vmem>> -> memref<32x1024xf32, #tpu.memory_space<vmem>>
    %dma_start3A_46 = arith.constant 0 : i32
    %dma_start3A_47 = tpu.memref_slice %arg2[%add3A_39, %dma_start3A_46] : memref<16384x1024xf32, #tpu.memory_space<hbm>> -> memref<32x1024xf32, #tpu.memory_space<hbm>>
    %dma_start3A_48 = tpu.memref_slice %arg7[%dma_start3A_41] : memref<3x!tpu.dma_semaphore, #tpu.memory_space<semaphore_mem>> -> memref<1x!tpu.dma_semaphore, #tpu.memory_space<semaphore_mem>>
    %dma_start3A_49 = tpu.memref_squeeze %dma_start3A_48 : memref<1x!tpu.dma_semaphore, #tpu.memory_space<semaphore_mem>> -> memref<!tpu.dma_semaphore, #tpu.memory_space<semaphore_mem>>
    %dma_start3A_50 = arith.constant 0 : i32
    %dma_start3A_51 = arith.constant 0 : i32
    %dma_start3A_52 = tpu.memref_slice %arg5[%dma_start3A_40, %dma_start3A_50, %dma_start3A_51] : memref<3x32x1024xf32, #tpu.memory_space<vmem>> -> memref<1x32x1024xf32, #tpu.memory_space<vmem>>
    %dma_start3A_53 = tpu.memref_squeeze %dma_start3A_52 : memref<1x32x1024xf32, #tpu.memory_space<vmem>> -> memref<32x1024xf32, #tpu.memory_space<vmem>>
    %dma_start3A_54 = arith.constant 0 : i32
    %dma_start3A_55 = tpu.memref_slice %arg2[%add3A_39, %dma_start3A_54] : memref<16384x1024xf32, #tpu.memory_space<hbm>> -> memref<32x1024xf32, #tpu.memory_space<hbm>>
    tpu.enqueue_dma source(%dma_start3A_55 : memref<32x1024xf32, #tpu.memory_space<hbm>>) target(%dma_start3A_53 : memref<32x1024xf32, #tpu.memory_space<vmem>>) target_semaphore(%dma_start3A_49 : memref<!tpu.dma_semaphore, #tpu.memory_space<semaphore_mem>>)
    %eq3A = arith.constant 0 : i32
    %eq3A_56 = arith.cmpi eq, %add3A, %eq3A : i32
    %convert_element_type3A = arith.extui %eq3A_56 : i1 to i32
    %cond3A = arith.constant 0 : i32
    %cond3A_57 = arith.cmpi ne, %convert_element_type3A, %cond3A : i32
    scf.if %cond3A_57 {
      %dma_start3A_1096 = arith.constant 0 : i32
      %dma_start3A_1097 = tpu.memref_slice %arg6[%dma_start3A_1096] : memref<16xf32, #tpu.memory_space<vmem>> -> memref<3xf32, #tpu.memory_space<vmem>>
      %dma_start3A_1098 = arith.constant 0 : i32
      %dma_start3A_1099 = tpu.memref_slice %arg6[%dma_start3A_1098] : memref<16xf32, #tpu.memory_space<vmem>> -> memref<3xf32, #tpu.memory_space<vmem>>
      tpu.enqueue_dma source(%arg3 : memref<3xf32, #tpu.memory_space<hbm>>) target(%dma_start3A_1099 : memref<3xf32, #tpu.memory_space<vmem>>) target_semaphore(%arg9 : memref<!tpu.dma_semaphore, #tpu.memory_space<semaphore_mem>>)
      %dma_wait3A_1100 = arith.constant 0 : i32
      %dma_wait3A_1101 = tpu.memref_slice %arg6[%dma_wait3A_1100] : memref<16xf32, #tpu.memory_space<vmem>> -> memref<3xf32, #tpu.memory_space<vmem>>
      %dma_wait3A_1102 = arith.constant 0 : i32
      %dma_wait3A_1103 = tpu.memref_slice %arg6[%dma_wait3A_1102] : memref<16xf32, #tpu.memory_space<vmem>> -> memref<3xf32, #tpu.memory_space<vmem>>
      tpu.wait_dma2 semaphore(%arg9 : memref<!tpu.dma_semaphore, #tpu.memory_space<semaphore_mem>>) src(%arg3 : memref<3xf32, #tpu.memory_space<hbm>>) dst(%dma_wait3A_1103 : memref<3xf32, #tpu.memory_space<vmem>>)
    } else {
    }
    %dma_wait3A = arith.constant 0 : i32
    %dma_wait3A_58 = arith.constant 0 : i32
    %dma_wait3A_59 = arith.constant 0 : i32
    %dma_wait3A_60 = arith.constant 0 : i32
    %dma_wait3A_61 = tpu.memref_slice %arg5[%dma_wait3A, %dma_wait3A_59, %dma_wait3A_60] : memref<3x32x1024xf32, #tpu.memory_space<vmem>> -> memref<1x32x1024xf32, #tpu.memory_space<vmem>>
    %dma_wait3A_62 = tpu.memref_squeeze %dma_wait3A_61 : memref<1x32x1024xf32, #tpu.memory_space<vmem>> -> memref<32x1024xf32, #tpu.memory_space<vmem>>
    %dma_wait3A_63 = arith.constant 0 : i32
    %dma_wait3A_64 = tpu.memref_slice %arg2[%add3A_4, %dma_wait3A_63] : memref<16384x1024xf32, #tpu.memory_space<hbm>> -> memref<32x1024xf32, #tpu.memory_space<hbm>>
    %dma_wait3A_65 = tpu.memref_slice %arg7[%dma_wait3A_58] : memref<3x!tpu.dma_semaphore, #tpu.memory_space<semaphore_mem>> -> memref<1x!tpu.dma_semaphore, #tpu.memory_space<semaphore_mem>>
    %dma_wait3A_66 = tpu.memref_squeeze %dma_wait3A_65 : memref<1x!tpu.dma_semaphore, #tpu.memory_space<semaphore_mem>> -> memref<!tpu.dma_semaphore, #tpu.memory_space<semaphore_mem>>
    %dma_wait3A_67 = arith.constant 0 : i32
    %dma_wait3A_68 = arith.constant 0 : i32
    %dma_wait3A_69 = tpu.memref_slice %arg5[%dma_wait3A, %dma_wait3A_67, %dma_wait3A_68] : memref<3x32x1024xf32, #tpu.memory_space<vmem>> -> memref<1x32x1024xf32, #tpu.memory_space<vmem>>
    %dma_wait3A_70 = tpu.memref_squeeze %dma_wait3A_69 : memref<1x32x1024xf32, #tpu.memory_space<vmem>> -> memref<32x1024xf32, #tpu.memory_space<vmem>>
    %dma_wait3A_71 = arith.constant 0 : i32
    %dma_wait3A_72 = tpu.memref_slice %arg2[%add3A_4, %dma_wait3A_71] : memref<16384x1024xf32, #tpu.memory_space<hbm>> -> memref<32x1024xf32, #tpu.memory_space<hbm>>
    tpu.wait_dma2 semaphore(%dma_wait3A_66 : memref<!tpu.dma_semaphore, #tpu.memory_space<semaphore_mem>>) src(%dma_wait3A_72 : memref<32x1024xf32, #tpu.memory_space<hbm>>) dst(%dma_wait3A_70 : memref<32x1024xf32, #tpu.memory_space<vmem>>)
    %eq3A_73 = arith.constant 0 : i32
    %eq3A_74 = arith.cmpi eq, %add3A, %eq3A_73 : i32
    %convert_element_type3A_75 = arith.extui %eq3A_74 : i1 to i32
    %cond3A_76 = arith.constant 0 : i32
    %cond3A_77 = arith.cmpi ne, %convert_element_type3A_75, %cond3A_76 : i32
    scf.if %cond3A_77 {
      %iota3A = tpu.iota {dimensions = array<i32: 0>} : vector<16xi32>
      %get3A = arith.constant 0 : index
      %get3A_1096 = tpu.vector_load %arg6[%get3A] {strides = array<i32>} : memref<16xf32, #tpu.memory_space<vmem>>, vector<16xf32>,
      %get3A_1097 = vector.shape_cast %get3A_1096 : vector<16xf32> to vector<16xf32>
      %slice3A = vector.extract_strided_slice %get3A_1097 {offsets = [0], sizes = [1], strides = [1]} : vector<16xf32> to vector<1xf32>
      %squeeze3A = vector.extract %slice3A[0] : f32 from vector<1xf32>
      %slice3A_1098 = vector.extract_strided_slice %get3A_1097 {offsets = [1], sizes = [1], strides = [1]} : vector<16xf32> to vector<1xf32>
      %squeeze3A_1099 = vector.extract %slice3A_1098[0] : f32 from vector<1xf32>
      %slice3A_1100 = vector.extract_strided_slice %get3A_1097 {offsets = [2], sizes = [1], strides = [1]} : vector<16xf32> to vector<1xf32>
      %squeeze3A_1101 = vector.extract %slice3A_1100[0] : f32 from vector<1xf32>
      %broadcast_in_dim3A = arith.constant 0.000000e+00 : f32
      %broadcast_in_dim3A_1102 = vector.broadcast %broadcast_in_dim3A : f32 to vector<16xf32>
      %get3A_1103 = arith.constant 0 : i32
      %get3A_1104 = arith.constant 0 : i32
      %get3A_1105 = arith.index_cast %get3A_1103 : i32 to index
      %get3A_1106 = arith.index_cast %get3A_1104 : i32 to index
      %get3A_1107 = arith.constant 0 : index
      %get3A_1108 = tpu.vector_load %arg5[%get3A_1105, %get3A_1106, %get3A_1107] {strides = array<i32>} : memref<3x32x1024xf32, #tpu.memory_space<vmem>>, vector<1x1x16xf32>,
      %get3A_1109 = vector.shape_cast %get3A_1108 : vector<1x1x16xf32> to vector<16xf32>
      %eq3A_1110 = arith.constant 1 : i32
      %eq3A_1111 = vector.broadcast %eq3A_1110 : i32 to vector<16xi32>
      %eq3A_1112 = arith.cmpi eq, %iota3A, %eq3A_1111 : vector<16xi32>
      %broadcast_in_dim3A_1113 = vector.broadcast %squeeze3A_1101 : f32 to vector<16xf32>
      %select_n3A = arith.select %eq3A_1112, %broadcast_in_dim3A_1113, %broadcast_in_dim3A_1102 : vector<16xi1>, vector<16xf32>
      %add3A_1114 = arith.addf %get3A_1109, %select_n3A : vector<16xf32>
      %eq3A_1115 = arith.constant 2 : i32
      %eq3A_1116 = vector.broadcast %eq3A_1115 : i32 to vector<16xi32>
      %eq3A_1117 = arith.cmpi eq, %iota3A, %eq3A_1116 : vector<16xi32>
      %broadcast_in_dim3A_1118 = vector.broadcast %squeeze3A_1099 : f32 to vector<16xf32>
      %select_n3A_1119 = arith.select %eq3A_1117, %broadcast_in_dim3A_1118, %broadcast_in_dim3A_1102 : vector<16xi1>, vector<16xf32>
      %add3A_1120 = arith.addf %add3A_1114, %select_n3A_1119 : vector<16xf32>
      %swap3A = arith.constant 0 : i32
      %swap3A_1121 = arith.constant 0 : i32
      %swap3A_1122 = arith.index_cast %swap3A : i32 to index
      %swap3A_1123 = arith.index_cast %swap3A_1121 : i32 to index
      %swap3A_1124 = arith.constant 0 : index
      %swap3A_1125 = tpu.vector_load %arg5[%swap3A_1122, %swap3A_1123, %swap3A_1124] {strides = array<i32>} : memref<3x32x1024xf32, #tpu.memory_space<vmem>>, vector<1x1x16xf32>,
      %swap3A_1126 = vector.shape_cast %swap3A_1125 : vector<1x1x16xf32> to vector<16xf32>
      %swap3A_1127 = vector.shape_cast %add3A_1120 : vector<16xf32> to vector<1x1x16xf32>
      tpu.vector_store %arg5[%swap3A_1122, %swap3A_1123, %swap3A_1124], %swap3A_1127 {strides = array<i32>} : memref<3x32x1024xf32, #tpu.memory_space<vmem>>, vector<1x1x16xf32>,
      %get3A_1128 = arith.constant 0 : i32
      %get3A_1129 = arith.constant 1 : i32
      %get3A_1130 = arith.index_cast %get3A_1128 : i32 to index
      %get3A_1131 = arith.index_cast %get3A_1129 : i32 to index
      %get3A_1132 = arith.constant 0 : index
      %get3A_1133 = tpu.vector_load %arg5[%get3A_1130, %get3A_1131, %get3A_1132] {strides = array<i32>} : memref<3x32x1024xf32, #tpu.memory_space<vmem>>, vector<1x1x16xf32>,
      %get3A_1134 = vector.shape_cast %get3A_1133 : vector<1x1x16xf32> to vector<16xf32>
      %eq3A_1135 = arith.constant 3 : i32
      %eq3A_1136 = vector.broadcast %eq3A_1135 : i32 to vector<16xi32>
      %eq3A_1137 = arith.cmpi eq, %iota3A, %eq3A_1136 : vector<16xi32>
      %broadcast_in_dim3A_1138 = vector.broadcast %squeeze3A : f32 to vector<16xf32>
      %select_n3A_1139 = arith.select %eq3A_1137, %broadcast_in_dim3A_1138, %broadcast_in_dim3A_1102 : vector<16xi1>, vector<16xf32>
      %add3A_1140 = arith.addf %get3A_1134, %select_n3A_1139 : vector<16xf32>
      %swap3A_1141 = arith.constant 0 : i32
      %swap3A_1142 = arith.constant 1 : i32
      %swap3A_1143 = arith.index_cast %swap3A_1141 : i32 to index
      %swap3A_1144 = arith.index_cast %swap3A_1142 : i32 to index
      %swap3A_1145 = arith.constant 0 : index
      %swap3A_1146 = tpu.vector_load %arg5[%swap3A_1143, %swap3A_1144, %swap3A_1145] {strides = array<i32>} : memref<3x32x1024xf32, #tpu.memory_space<vmem>>, vector<1x1x16xf32>,
      %swap3A_1147 = vector.shape_cast %swap3A_1146 : vector<1x1x16xf32> to vector<16xf32>
      %swap3A_1148 = vector.shape_cast %add3A_1140 : vector<16xf32> to vector<1x1x16xf32>
      tpu.vector_store %arg5[%swap3A_1143, %swap3A_1144, %swap3A_1145], %swap3A_1148 {strides = array<i32>} : memref<3x32x1024xf32, #tpu.memory_space<vmem>>, vector<1x1x16xf32>,
    } else {
    }
    %add3A_78 = arith.constant 0 : i32
    %add3A_79 = arith.addi %mul3A_2, %add3A_78 : i32
    %dma_start3A_80 = arith.constant 0 : i32
    %dma_start3A_81 = arith.constant 0 : i32
    %dma_start3A_82 = arith.constant 0 : i32
    %dma_start3A_83 = arith.constant 0 : i32
    %dma_start3A_84 = tpu.memref_slice %arg5[%dma_start3A_80, %dma_start3A_82, %dma_start3A_83] : memref<3x32x1024xf32, #tpu.memory_space<vmem>> -> memref<1x32x1024xf32, #tpu.memory_space<vmem>>
    %dma_start3A_85 = tpu.memref_squeeze %dma_start3A_84 : memref<1x32x1024xf32, #tpu.memory_space<vmem>> -> memref<32x1024xf32, #tpu.memory_space<vmem>>
    %dma_start3A_86 = arith.constant 0 : i32
    %dma_start3A_87 = tpu.memref_slice %arg4[%add3A_79, %dma_start3A_86] : memref<16384x1024xf32, #tpu.memory_space<hbm>> -> memref<32x1024xf32, #tpu.memory_space<hbm>>
    %dma_start3A_88 = tpu.memref_slice %arg8[%dma_start3A_81] : memref<3x!tpu.dma_semaphore, #tpu.memory_space<semaphore_mem>> -> memref<1x!tpu.dma_semaphore, #tpu.memory_space<semaphore_mem>>
    %dma_start3A_89 = tpu.memref_squeeze %dma_start3A_88 : memref<1x!tpu.dma_semaphore, #tpu.memory_space<semaphore_mem>> -> memref<!tpu.dma_semaphore, #tpu.memory_space<semaphore_mem>>
    %dma_start3A_90 = arith.constant 0 : i32
    %dma_start3A_91 = tpu.memref_slice %arg4[%add3A_79, %dma_start3A_90] : memref<16384x1024xf32, #tpu.memory_space<hbm>> -> memref<32x1024xf32, #tpu.memory_space<hbm>>
    %dma_start3A_92 = arith.constant 0 : i32
    %dma_start3A_93 = arith.constant 0 : i32
    %dma_start3A_94 = tpu.memref_slice %arg5[%dma_start3A_80, %dma_start3A_92, %dma_start3A_93] : memref<3x32x1024xf32, #tpu.memory_space<vmem>> -> memref<1x32x1024xf32, #tpu.memory_space<vmem>>
    %dma_start3A_95 = tpu.memref_squeeze %dma_start3A_94 : memref<1x32x1024xf32, #tpu.memory_space<vmem>> -> memref<32x1024xf32, #tpu.memory_space<vmem>>
    tpu.enqueue_dma source(%dma_start3A_95 : memref<32x1024xf32, #tpu.memory_space<vmem>>) target(%dma_start3A_91 : memref<32x1024xf32, #tpu.memory_space<hbm>>) target_semaphore(%dma_start3A_89 : memref<!tpu.dma_semaphore, #tpu.memory_space<semaphore_mem>>)
    %dma_wait3A_96 = arith.constant 0 : i32
    %dma_wait3A_97 = arith.constant 0 : i32
    %dma_wait3A_98 = arith.constant 0 : i32
    %dma_wait3A_99 = arith.constant 0 : i32
    %dma_wait3A_100 = tpu.memref_slice %arg5[%dma_wait3A_96, %dma_wait3A_98, %dma_wait3A_99] : memref<3x32x1024xf32, #tpu.memory_space<vmem>> -> memref<1x32x1024xf32, #tpu.memory_space<vmem>>
    %dma_wait3A_101 = tpu.memref_squeeze %dma_wait3A_100 : memref<1x32x1024xf32, #tpu.memory_space<vmem>> -> memref<32x1024xf32, #tpu.memory_space<vmem>>
    %dma_wait3A_102 = arith.constant 0 : i32
    %dma_wait3A_103 = tpu.memref_slice %arg4[%add3A_79, %dma_wait3A_102] : memref<16384x1024xf32, #tpu.memory_space<hbm>> -> memref<32x1024xf32, #tpu.memory_space<hbm>>
    %dma_wait3A_104 = tpu.memref_slice %arg8[%dma_wait3A_97] : memref<3x!tpu.dma_semaphore, #tpu.memory_space<semaphore_mem>> -> memref<1x!tpu.dma_semaphore, #tpu.memory_space<semaphore_mem>>
    %dma_wait3A_105 = tpu.memref_squeeze %dma_wait3A_104 : memref<1x!tpu.dma_semaphore, #tpu.memory_space<semaphore_mem>> -> memref<!tpu.dma_semaphore, #tpu.memory_space<semaphore_mem>>
    %dma_wait3A_106 = arith.constant 0 : i32
    %dma_wait3A_107 = tpu.memref_slice %arg4[%add3A_79, %dma_wait3A_106] : memref<16384x1024xf32, #tpu.memory_space<hbm>> -> memref<32x1024xf32, #tpu.memory_space<hbm>>
    %dma_wait3A_108 = arith.constant 0 : i32
    %dma_wait3A_109 = arith.constant 0 : i32
    %dma_wait3A_110 = tpu.memref_slice %arg5[%dma_wait3A_96, %dma_wait3A_108, %dma_wait3A_109] : memref<3x32x1024xf32, #tpu.memory_space<vmem>> -> memref<1x32x1024xf32, #tpu.memory_space<vmem>>
    %dma_wait3A_111 = tpu.memref_squeeze %dma_wait3A_110 : memref<1x32x1024xf32, #tpu.memory_space<vmem>> -> memref<32x1024xf32, #tpu.memory_space<vmem>>
    tpu.wait_dma2 semaphore(%dma_wait3A_105 : memref<!tpu.dma_semaphore, #tpu.memory_space<semaphore_mem>>) src(%dma_wait3A_111 : memref<32x1024xf32, #tpu.memory_space<vmem>>) dst(%dma_wait3A_107 : memref<32x1024xf32, #tpu.memory_space<hbm>>)
    %add3A_112 = arith.constant 96 : i32
    %add3A_113 = arith.addi %mul3A_2, %add3A_112 : i32
    %dma_start3A_114 = arith.constant 0 : i32
    %dma_start3A_115 = arith.constant 0 : i32
    %dma_start3A_116 = arith.constant 0 : i32
    %dma_start3A_117 = arith.constant 0 : i32
    %dma_start3A_118 = tpu.memref_slice %arg5[%dma_start3A_114, %dma_start3A_116, %dma_start3A_117] : memref<3x32x1024xf32, #tpu.memory_space<vmem>> -> memref<1x32x1024xf32, #tpu.memory_space<vmem>>
    %dma_start3A_119 = tpu.memref_squeeze %dma_start3A_118 : memref<1x32x1024xf32, #tpu.memory_space<vmem>> -> memref<32x1024xf32, #tpu.memory_space<vmem>>
    %dma_start3A_120 = arith.constant 0 : i32
    %dma_start3A_121 = tpu.memref_slice %arg2[%add3A_113, %dma_start3A_120] : memref<16384x1024xf32, #tpu.memory_space<hbm>> -> memref<32x1024xf32, #tpu.memory_space<hbm>>
    %dma_start3A_122 = tpu.memref_slice %arg7[%dma_start3A_115] : memref<3x!tpu.dma_semaphore, #tpu.memory_space<semaphore_mem>> -> memref<1x!tpu.dma_semaphore, #tpu.memory_space<semaphore_mem>>
    %dma_start3A_123 = tpu.memref_squeeze %dma_start3A_122 : memref<1x!tpu.dma_semaphore, #tpu.memory_space<semaphore_mem>> -> memref<!tpu.dma_semaphore, #tpu.memory_space<semaphore_mem>>
    %dma_start3A_124 = arith.constant 0 : i32
    %dma_start3A_125 = arith.constant 0 : i32
    %dma_start3A_126 = tpu.memref_slice %arg5[%dma_start3A_114, %dma_start3A_124, %dma_start3A_125] : memref<3x32x1024xf32, #tpu.memory_space<vmem>> -> memref<1x32x1024xf32, #tpu.memory_space<vmem>>
    %dma_start3A_127 = tpu.memref_squeeze %dma_start3A_126 : memref<1x32x1024xf32, #tpu.memory_space<vmem>> -> memref<32x1024xf32, #tpu.memory_space<vmem>>
    %dma_start3A_128 = arith.constant 0 : i32
    %dma_start3A_129 = tpu.memref_slice %arg2[%add3A_113, %dma_start3A_128] : memref<16384x1024xf32, #tpu.memory_space<hbm>> -> memref<32x1024xf32, #tpu.memory_space<hbm>>
    tpu.enqueue_dma source(%dma_start3A_129 : memref<32x1024xf32, #tpu.memory_space<hbm>>) target(%dma_start3A_127 : memref<32x1024xf32, #tpu.memory_space<vmem>>) target_semaphore(%dma_start3A_123 : memref<!tpu.dma_semaphore, #tpu.memory_space<semaphore_mem>>)
    %dma_wait3A_130 = arith.constant 1 : i32
    %dma_wait3A_131 = arith.constant 1 : i32
    %dma_wait3A_132 = arith.constant 0 : i32
    %dma_wait3A_133 = arith.constant 0 : i32
    %dma_wait3A_134 = tpu.memref_slice %arg5[%dma_wait3A_130, %dma_wait3A_132, %dma_wait3A_133] : memref<3x32x1024xf32, #tpu.memory_space<vmem>> -> memref<1x32x1024xf32, #tpu.memory_space<vmem>>
    %dma_wait3A_135 = tpu.memref_squeeze %dma_wait3A_134 : memref<1x32x1024xf32, #tpu.memory_space<vmem>> -> memref<32x1024xf32, #tpu.memory_space<vmem>>
    %dma_wait3A_136 = arith.constant 0 : i32
    %dma_wait3A_137 = tpu.memref_slice %arg2[%add3A_21, %dma_wait3A_136] : memref<16384x1024xf32, #tpu.memory_space<hbm>> -> memref<32x1024xf32, #tpu.memory_space<hbm>>
    %dma_wait3A_138 = tpu.memref_slice %arg7[%dma_wait3A_131] : memref<3x!tpu.dma_semaphore, #tpu.memory_space<semaphore_mem>> -> memref<1x!tpu.dma_semaphore, #tpu.memory_space<semaphore_mem>>
    %dma_wait3A_139 = tpu.memref_squeeze %dma_wait3A_138 : memref<1x!tpu.dma_semaphore, #tpu.memory_space<semaphore_mem>> -> memref<!tpu.dma_semaphore, #tpu.memory_space<semaphore_mem>>
    %dma_wait3A_140 = arith.constant 0 : i32
    %dma_wait3A_141 = arith.constant 0 : i32
    %dma_wait3A_142 = tpu.memref_slice %arg5[%dma_wait3A_130, %dma_wait3A_140, %dma_wait3A_141] : memref<3x32x1024xf32, #tpu.memory_space<vmem>> -> memref<1x32x1024xf32, #tpu.memory_space<vmem>>
    %dma_wait3A_143 = tpu.memref_squeeze %dma_wait3A_142 : memref<1x32x1024xf32, #tpu.memory_space<vmem>> -> memref<32x1024xf32, #tpu.memory_space<vmem>>
    %dma_wait3A_144 = arith.constant 0 : i32
    %dma_wait3A_145 = tpu.memref_slice %arg2[%add3A_21, %dma_wait3A_144] : memref<16384x1024xf32, #tpu.memory_space<hbm>> -> memref<32x1024xf32, #tpu.memory_space<hbm>>
    tpu.wait_dma2 semaphore(%dma_wait3A_139 : memref<!tpu.dma_semaphore, #tpu.memory_space<semaphore_mem>>) src(%dma_wait3A_145 : memref<32x1024xf32, #tpu.memory_space<hbm>>) dst(%dma_wait3A_143 : memref<32x1024xf32, #tpu.memory_space<vmem>>)
    %add3A_146 = arith.constant 32 : i32
    %add3A_147 = arith.addi %mul3A_2, %add3A_146 : i32
    %dma_start3A_148 = arith.constant 1 : i32
    %dma_start3A_149 = arith.constant 1 : i32
    %dma_start3A_150 = arith.constant 0 : i32
    %dma_start3A_151 = arith.constant 0 : i32
    %dma_start3A_152 = tpu.memref_slice %arg5[%dma_start3A_148, %dma_start3A_150, %dma_start3A_151] : memref<3x32x1024xf32, #tpu.memory_space<vmem>> -> memref<1x32x1024xf32, #tpu.memory_space<vmem>>
    %dma_start3A_153 = tpu.memref_squeeze %dma_start3A_152 : memref<1x32x1024xf32, #tpu.memory_space<vmem>> -> memref<32x1024xf32, #tpu.memory_space<vmem>>
    %dma_start3A_154 = arith.constant 0 : i32
    %dma_start3A_155 = tpu.memref_slice %arg4[%add3A_147, %dma_start3A_154] : memref<16384x1024xf32, #tpu.memory_space<hbm>> -> memref<32x1024xf32, #tpu.memory_space<hbm>>
    %dma_start3A_156 = tpu.memref_slice %arg8[%dma_start3A_149] : memref<3x!tpu.dma_semaphore, #tpu.memory_space<semaphore_mem>> -> memref<1x!tpu.dma_semaphore, #tpu.memory_space<semaphore_mem>>
    %dma_start3A_157 = tpu.memref_squeeze %dma_start3A_156 : memref<1x!tpu.dma_semaphore, #tpu.memory_space<semaphore_mem>> -> memref<!tpu.dma_semaphore, #tpu.memory_space<semaphore_mem>>
    %dma_start3A_158 = arith.constant 0 : i32
    %dma_start3A_159 = tpu.memref_slice %arg4[%add3A_147, %dma_start3A_158] : memref<16384x1024xf32, #tpu.memory_space<hbm>> -> memref<32x1024xf32, #tpu.memory_space<hbm>>
    %dma_start3A_160 = arith.constant 0 : i32
    %dma_start3A_161 = arith.constant 0 : i32
    %dma_start3A_162 = tpu.memref_slice %arg5[%dma_start3A_148, %dma_start3A_160, %dma_start3A_161] : memref<3x32x1024xf32, #tpu.memory_space<vmem>> -> memref<1x32x1024xf32, #tpu.memory_space<vmem>>
    %dma_start3A_163 = tpu.memref_squeeze %dma_start3A_162 : memref<1x32x1024xf32, #tpu.memory_space<vmem>> -> memref<32x1024xf32, #tpu.memory_space<vmem>>
    tpu.enqueue_dma source(%dma_start3A_163 : memref<32x1024xf32, #tpu.memory_space<vmem>>) target(%dma_start3A_159 : memref<32x1024xf32, #tpu.memory_space<hbm>>) target_semaphore(%dma_start3A_157 : memref<!tpu.dma_semaphore, #tpu.memory_space<semaphore_mem>>)
    %dma_wait3A_164 = arith.constant 1 : i32
    %dma_wait3A_165 = arith.constant 1 : i32
    %dma_wait3A_166 = arith.constant 0 : i32
    %dma_wait3A_167 = arith.constant 0 : i32
    %dma_wait3A_168 = tpu.memref_slice %arg5[%dma_wait3A_164, %dma_wait3A_166, %dma_wait3A_167] : memref<3x32x1024xf32, #tpu.memory_space<vmem>> -> memref<1x32x1024xf32, #tpu.memory_space<vmem>>
    %dma_wait3A_169 = tpu.memref_squeeze %dma_wait3A_168 : memref<1x32x1024xf32, #tpu.memory_space<vmem>> -> memref<32x1024xf32, #tpu.memory_space<vmem>>
    %dma_wait3A_170 = arith.constant 0 : i32
    %dma_wait3A_171 = tpu.memref_slice %arg4[%add3A_147, %dma_wait3A_170] : memref<16384x1024xf32, #tpu.memory_space<hbm>> -> memref<32x1024xf32, #tpu.memory_space<hbm>>
    %dma_wait3A_172 = tpu.memref_slice %arg8[%dma_wait3A_165] : memref<3x!tpu.dma_semaphore, #tpu.memory_space<semaphore_mem>> -> memref<1x!tpu.dma_semaphore, #tpu.memory_space<semaphore_mem>>
    %dma_wait3A_173 = tpu.memref_squeeze %dma_wait3A_172 : memref<1x!tpu.dma_semaphore, #tpu.memory_space<semaphore_mem>> -> memref<!tpu.dma_semaphore, #tpu.memory_space<semaphore_mem>>
    %dma_wait3A_174 = arith.constant 0 : i32
    %dma_wait3A_175 = tpu.memref_slice %arg4[%add3A_147, %dma_wait3A_174] : memref<16384x1024xf32, #tpu.memory_space<hbm>> -> memref<32x1024xf32, #tpu.memory_space<hbm>>
    %dma_wait3A_176 = arith.constant 0 : i32
    %dma_wait3A_177 = arith.constant 0 : i32
    %dma_wait3A_178 = tpu.memref_slice %arg5[%dma_wait3A_164, %dma_wait3A_176, %dma_wait3A_177] : memref<3x32x1024xf32, #tpu.memory_space<vmem>> -> memref<1x32x1024xf32, #tpu.memory_space<vmem>>
    %dma_wait3A_179 = tpu.memref_squeeze %dma_wait3A_178 : memref<1x32x1024xf32, #tpu.memory_space<vmem>> -> memref<32x1024xf32, #tpu.memory_space<vmem>>
    tpu.wait_dma2 semaphore(%dma_wait3A_173 : memref<!tpu.dma_semaphore, #tpu.memory_space<semaphore_mem>>) src(%dma_wait3A_179 : memref<32x1024xf32, #tpu.memory_space<vmem>>) dst(%dma_wait3A_175 : memref<32x1024xf32, #tpu.memory_space<hbm>>)
    %add3A_180 = arith.constant 128 : i32
    %add3A_181 = arith.addi %mul3A_2, %add3A_180 : i32
    %dma_start3A_182 = arith.constant 1 : i32
    %dma_start3A_183 = arith.constant 1 : i32
    %dma_start3A_184 = arith.constant 0 : i32
    %dma_start3A_185 = arith.constant 0 : i32
    %dma_start3A_186 = tpu.memref_slice %arg5[%dma_start3A_182, %dma_start3A_184, %dma_start3A_185] : memref<3x32x1024xf32, #tpu.memory_space<vmem>> -> memref<1x32x1024xf32, #tpu.memory_space<vmem>>
    %dma_start3A_187 = tpu.memref_squeeze %dma_start3A_186 : memref<1x32x1024xf32, #tpu.memory_space<vmem>> -> memref<32x1024xf32, #tpu.memory_space<vmem>>
    %dma_start3A_188 = arith.constant 0 : i32
    %dma_start3A_189 = tpu.memref_slice %arg2[%add3A_181, %dma_start3A_188] : memref<16384x1024xf32, #tpu.memory_space<hbm>> -> memref<32x1024xf32, #tpu.memory_space<hbm>>
    %dma_start3A_190 = tpu.memref_slice %arg7[%dma_start3A_183] : memref<3x!tpu.dma_semaphore, #tpu.memory_space<semaphore_mem>> -> memref<1x!tpu.dma_semaphore, #tpu.memory_space<semaphore_mem>>
    %dma_start3A_191 = tpu.memref_squeeze %dma_start3A_190 : memref<1x!tpu.dma_semaphore, #tpu.memory_space<semaphore_mem>> -> memref<!tpu.dma_semaphore, #tpu.memory_space<semaphore_mem>>
    %dma_start3A_192 = arith.constant 0 : i32
    %dma_start3A_193 = arith.constant 0 : i32
    %dma_start3A_194 = tpu.memref_slice %arg5[%dma_start3A_182, %dma_start3A_192, %dma_start3A_193] : memref<3x32x1024xf32, #tpu.memory_space<vmem>> -> memref<1x32x1024xf32, #tpu.memory_space<vmem>>
    %dma_start3A_195 = tpu.memref_squeeze %dma_start3A_194 : memref<1x32x1024xf32, #tpu.memory_space<vmem>> -> memref<32x1024xf32, #tpu.memory_space<vmem>>
    %dma_start3A_196 = arith.constant 0 : i32
    %dma_start3A_197 = tpu.memref_slice %arg2[%add3A_181, %dma_start3A_196] : memref<16384x1024xf32, #tpu.memory_space<hbm>> -> memref<32x1024xf32, #tpu.memory_space<hbm>>
    tpu.enqueue_dma source(%dma_start3A_197 : memref<32x1024xf32, #tpu.memory_space<hbm>>) target(%dma_start3A_195 : memref<32x1024xf32, #tpu.memory_space<vmem>>) target_semaphore(%dma_start3A_191 : memref<!tpu.dma_semaphore, #tpu.memory_space<semaphore_mem>>)
    %dma_wait3A_198 = arith.constant 2 : i32
    %dma_wait3A_199 = arith.constant 2 : i32
    %dma_wait3A_200 = arith.constant 0 : i32
    %dma_wait3A_201 = arith.constant 0 : i32
    %dma_wait3A_202 = tpu.memref_slice %arg5[%dma_wait3A_198, %dma_wait3A_200, %dma_wait3A_201] : memref<3x32x1024xf32, #tpu.memory_space<vmem>> -> memref<1x32x1024xf32, #tpu.memory_space<vmem>>
    %dma_wait3A_203 = tpu.memref_squeeze %dma_wait3A_202 : memref<1x32x1024xf32, #tpu.memory_space<vmem>> -> memref<32x1024xf32, #tpu.memory_space<vmem>>
    %dma_wait3A_204 = arith.constant 0 : i32
    %dma_wait3A_205 = tpu.memref_slice %arg2[%add3A_39, %dma_wait3A_204] : memref<16384x1024xf32, #tpu.memory_space<hbm>> -> memref<32x1024xf32, #tpu.memory_space<hbm>>
    %dma_wait3A_206 = tpu.memref_slice %arg7[%dma_wait3A_199] : memref<3x!tpu.dma_semaphore, #tpu.memory_space<semaphore_mem>> -> memref<1x!tpu.dma_semaphore, #tpu.memory_space<semaphore_mem>>
    %dma_wait3A_207 = tpu.memref_squeeze %dma_wait3A_206 : memref<1x!tpu.dma_semaphore, #tpu.memory_space<semaphore_mem>> -> memref<!tpu.dma_semaphore, #tpu.memory_space<semaphore_mem>>
    %dma_wait3A_208 = arith.constant 0 : i32
    %dma_wait3A_209 = arith.constant 0 : i32
    %dma_wait3A_210 = tpu.memref_slice %arg5[%dma_wait3A_198, %dma_wait3A_208, %dma_wait3A_209] : memref<3x32x1024xf32, #tpu.memory_space<vmem>> -> memref<1x32x1024xf32, #tpu.memory_space<vmem>>
    %dma_wait3A_211 = tpu.memref_squeeze %dma_wait3A_210 : memref<1x32x1024xf32, #tpu.memory_space<vmem>> -> memref<32x1024xf32, #tpu.memory_space<vmem>>
    %dma_wait3A_212 = arith.constant 0 : i32
    %dma_wait3A_213 = tpu.memref_slice %arg2[%add3A_39, %dma_wait3A_212] : memref<16384x1024xf32, #tpu.memory_space<hbm>> -> memref<32x1024xf32, #tpu.memory_space<hbm>>
    tpu.wait_dma2 semaphore(%dma_wait3A_207 : memref<!tpu.dma_semaphore, #tpu.memory_space<semaphore_mem>>) src(%dma_wait3A_213 : memref<32x1024xf32, #tpu.memory_space<hbm>>) dst(%dma_wait3A_211 : memref<32x1024xf32, #tpu.memory_space<vmem>>)
    %add3A_214 = arith.constant 64 : i32
    %add3A_215 = arith.addi %mul3A_2, %add3A_214 : i32
    %dma_start3A_216 = arith.constant 2 : i32
    %dma_start3A_217 = arith.constant 2 : i32
    %dma_start3A_218 = arith.constant 0 : i32
    %dma_start3A_219 = arith.constant 0 : i32
    %dma_start3A_220 = tpu.memref_slice %arg5[%dma_start3A_216, %dma_start3A_218, %dma_start3A_219] : memref<3x32x1024xf32, #tpu.memory_space<vmem>> -> memref<1x32x1024xf32, #tpu.memory_space<vmem>>
    %dma_start3A_221 = tpu.memref_squeeze %dma_start3A_220 : memref<1x32x1024xf32, #tpu.memory_space<vmem>> -> memref<32x1024xf32, #tpu.memory_space<vmem>>
    %dma_start3A_222 = arith.constant 0 : i32
    %dma_start3A_223 = tpu.memref_slice %arg4[%add3A_215, %dma_start3A_222] : memref<16384x1024xf32, #tpu.memory_space<hbm>> -> memref<32x1024xf32, #tpu.memory_space<hbm>>
    %dma_start3A_224 = tpu.memref_slice %arg8[%dma_start3A_217] : memref<3x!tpu.dma_semaphore, #tpu.memory_space<semaphore_mem>> -> memref<1x!tpu.dma_semaphore, #tpu.memory_space<semaphore_mem>>
    %dma_start3A_225 = tpu.memref_squeeze %dma_start3A_224 : memref<1x!tpu.dma_semaphore, #tpu.memory_space<semaphore_mem>> -> memref<!tpu.dma_semaphore, #tpu.memory_space<semaphore_mem>>
    %dma_start3A_226 = arith.constant 0 : i32
    %dma_start3A_227 = tpu.memref_slice %arg4[%add3A_215, %dma_start3A_226] : memref<16384x1024xf32, #tpu.memory_space<hbm>> -> memref<32x1024xf32, #tpu.memory_space<hbm>>
    %dma_start3A_228 = arith.constant 0 : i32
    %dma_start3A_229 = arith.constant 0 : i32
    %dma_start3A_230 = tpu.memref_slice %arg5[%dma_start3A_216, %dma_start3A_228, %dma_start3A_229] : memref<3x32x1024xf32, #tpu.memory_space<vmem>> -> memref<1x32x1024xf32, #tpu.memory_space<vmem>>
    %dma_start3A_231 = tpu.memref_squeeze %dma_start3A_230 : memref<1x32x1024xf32, #tpu.memory_space<vmem>> -> memref<32x1024xf32, #tpu.memory_space<vmem>>
    tpu.enqueue_dma source(%dma_start3A_231 : memref<32x1024xf32, #tpu.memory_space<vmem>>) target(%dma_start3A_227 : memref<32x1024xf32, #tpu.memory_space<hbm>>) target_semaphore(%dma_start3A_225 : memref<!tpu.dma_semaphore, #tpu.memory_space<semaphore_mem>>)
    %dma_wait3A_232 = arith.constant 2 : i32
    %dma_wait3A_233 = arith.constant 2 : i32
    %dma_wait3A_234 = arith.constant 0 : i32
    %dma_wait3A_235 = arith.constant 0 : i32
    %dma_wait3A_236 = tpu.memref_slice %arg5[%dma_wait3A_232, %dma_wait3A_234, %dma_wait3A_235] : memref<3x32x1024xf32, #tpu.memory_space<vmem>> -> memref<1x32x1024xf32, #tpu.memory_space<vmem>>
    %dma_wait3A_237 = tpu.memref_squeeze %dma_wait3A_236 : memref<1x32x1024xf32, #tpu.memory_space<vmem>> -> memref<32x1024xf32, #tpu.memory_space<vmem>>
    %dma_wait3A_238 = arith.constant 0 : i32
    %dma_wait3A_239 = tpu.memref_slice %arg4[%add3A_215, %dma_wait3A_238] : memref<16384x1024xf32, #tpu.memory_space<hbm>> -> memref<32x1024xf32, #tpu.memory_space<hbm>>
    %dma_wait3A_240 = tpu.memref_slice %arg8[%dma_wait3A_233] : memref<3x!tpu.dma_semaphore, #tpu.memory_space<semaphore_mem>> -> memref<1x!tpu.dma_semaphore, #tpu.memory_space<semaphore_mem>>
    %dma_wait3A_241 = tpu.memref_squeeze %dma_wait3A_240 : memref<1x!tpu.dma_semaphore, #tpu.memory_space<semaphore_mem>> -> memref<!tpu.dma_semaphore, #tpu.memory_space<semaphore_mem>>
    %dma_wait3A_242 = arith.constant 0 : i32
    %dma_wait3A_243 = tpu.memref_slice %arg4[%add3A_215, %dma_wait3A_242] : memref<16384x1024xf32, #tpu.memory_space<hbm>> -> memref<32x1024xf32, #tpu.memory_space<hbm>>
    %dma_wait3A_244 = arith.constant 0 : i32
    %dma_wait3A_245 = arith.constant 0 : i32
    %dma_wait3A_246 = tpu.memref_slice %arg5[%dma_wait3A_232, %dma_wait3A_244, %dma_wait3A_245] : memref<3x32x1024xf32, #tpu.memory_space<vmem>> -> memref<1x32x1024xf32, #tpu.memory_space<vmem>>
    %dma_wait3A_247 = tpu.memref_squeeze %dma_wait3A_246 : memref<1x32x1024xf32, #tpu.memory_space<vmem>> -> memref<32x1024xf32, #tpu.memory_space<vmem>>
    tpu.wait_dma2 semaphore(%dma_wait3A_241 : memref<!tpu.dma_semaphore, #tpu.memory_space<semaphore_mem>>) src(%dma_wait3A_247 : memref<32x1024xf32, #tpu.memory_space<vmem>>) dst(%dma_wait3A_243 : memref<32x1024xf32, #tpu.memory_space<hbm>>)
    %add3A_248 = arith.constant 160 : i32
    %add3A_249 = arith.addi %mul3A_2, %add3A_248 : i32
    %dma_start3A_250 = arith.constant 2 : i32
    %dma_start3A_251 = arith.constant 2 : i32
    %dma_start3A_252 = arith.constant 0 : i32
    %dma_start3A_253 = arith.constant 0 : i32
    %dma_start3A_254 = tpu.memref_slice %arg5[%dma_start3A_250, %dma_start3A_252, %dma_start3A_253] : memref<3x32x1024xf32, #tpu.memory_space<vmem>> -> memref<1x32x1024xf32, #tpu.memory_space<vmem>>
    %dma_start3A_255 = tpu.memref_squeeze %dma_start3A_254 : memref<1x32x1024xf32, #tpu.memory_space<vmem>> -> memref<32x1024xf32, #tpu.memory_space<vmem>>
    %dma_start3A_256 = arith.constant 0 : i32
    %dma_start3A_257 = tpu.memref_slice %arg2[%add3A_249, %dma_start3A_256] : memref<16384x1024xf32, #tpu.memory_space<hbm>> -> memref<32x1024xf32, #tpu.memory_space<hbm>>
    %dma_start3A_258 = tpu.memref_slice %arg7[%dma_start3A_251] : memref<3x!tpu.dma_semaphore, #tpu.memory_space<semaphore_mem>> -> memref<1x!tpu.dma_semaphore, #tpu.memory_space<semaphore_mem>>
    %dma_start3A_259 = tpu.memref_squeeze %dma_start3A_258 : memref<1x!tpu.dma_semaphore, #tpu.memory_space<semaphore_mem>> -> memref<!tpu.dma_semaphore, #tpu.memory_space<semaphore_mem>>
    %dma_start3A_260 = arith.constant 0 : i32
    %dma_start3A_261 = arith.constant 0 : i32
    %dma_start3A_262 = tpu.memref_slice %arg5[%dma_start3A_250, %dma_start3A_260, %dma_start3A_261] : memref<3x32x1024xf32, #tpu.memory_space<vmem>> -> memref<1x32x1024xf32, #tpu.memory_space<vmem>>
    %dma_start3A_263 = tpu.memref_squeeze %dma_start3A_262 : memref<1x32x1024xf32, #tpu.memory_space<vmem>> -> memref<32x1024xf32, #tpu.memory_space<vmem>>
    %dma_start3A_264 = arith.constant 0 : i32
    %dma_start3A_265 = tpu.memref_slice %arg2[%add3A_249, %dma_start3A_264] : memref<16384x1024xf32, #tpu.memory_space<hbm>> -> memref<32x1024xf32, #tpu.memory_space<hbm>>
    tpu.enqueue_dma source(%dma_start3A_265 : memref<32x1024xf32, #tpu.memory_space<hbm>>) target(%dma_start3A_263 : memref<32x1024xf32, #tpu.memory_space<vmem>>) target_semaphore(%dma_start3A_259 : memref<!tpu.dma_semaphore, #tpu.memory_space<semaphore_mem>>)
    %dma_wait3A_266 = arith.constant 0 : i32
    %dma_wait3A_267 = arith.constant 0 : i32
    %dma_wait3A_268 = arith.constant 0 : i32
    %dma_wait3A_269 = arith.constant 0 : i32
    %dma_wait3A_270 = tpu.memref_slice %arg5[%dma_wait3A_266, %dma_wait3A_268, %dma_wait3A_269] : memref<3x32x1024xf32, #tpu.memory_space<vmem>> -> memref<1x32x1024xf32, #tpu.memory_space<vmem>>
    %dma_wait3A_271 = tpu.memref_squeeze %dma_wait3A_270 : memref<1x32x1024xf32, #tpu.memory_space<vmem>> -> memref<32x1024xf32, #tpu.memory_space<vmem>>
    %dma_wait3A_272 = arith.constant 0 : i32
    %dma_wait3A_273 = tpu.memref_slice %arg2[%add3A_113, %dma_wait3A_272] : memref<16384x1024xf32, #tpu.memory_space<hbm>> -> memref<32x1024xf32, #tpu.memory_space<hbm>>
    %dma_wait3A_274 = tpu.memref_slice %arg7[%dma_wait3A_267] : memref<3x!tpu.dma_semaphore, #tpu.memory_space<semaphore_mem>> -> memref<1x!tpu.dma_semaphore, #tpu.memory_space<semaphore_mem>>
    %dma_wait3A_275 = tpu.memref_squeeze %dma_wait3A_274 : memref<1x!tpu.dma_semaphore, #tpu.memory_space<semaphore_mem>> -> memref<!tpu.dma_semaphore, #tpu.memory_space<semaphore_mem>>
    %dma_wait3A_276 = arith.constant 0 : i32
    %dma_wait3A_277 = arith.constant 0 : i32
    %dma_wait3A_278 = tpu.memref_slice %arg5[%dma_wait3A_266, %dma_wait3A_276, %dma_wait3A_277] : memref<3x32x1024xf32, #tpu.memory_space<vmem>> -> memref<1x32x1024xf32, #tpu.memory_space<vmem>>
    %dma_wait3A_279 = tpu.memref_squeeze %dma_wait3A_278 : memref<1x32x1024xf32, #tpu.memory_space<vmem>> -> memref<32x1024xf32, #tpu.memory_space<vmem>>
    %dma_wait3A_280 = arith.constant 0 : i32
    %dma_wait3A_281 = tpu.memref_slice %arg2[%add3A_113, %dma_wait3A_280] : memref<16384x1024xf32, #tpu.memory_space<hbm>> -> memref<32x1024xf32, #tpu.memory_space<hbm>>
    tpu.wait_dma2 semaphore(%dma_wait3A_275 : memref<!tpu.dma_semaphore, #tpu.memory_space<semaphore_mem>>) src(%dma_wait3A_281 : memref<32x1024xf32, #tpu.memory_space<hbm>>) dst(%dma_wait3A_279 : memref<32x1024xf32, #tpu.memory_space<vmem>>)
    %add3A_282 = arith.constant 96 : i32
    %add3A_283 = arith.addi %mul3A_2, %add3A_282 : i32
    %dma_start3A_284 = arith.constant 0 : i32
    %dma_start3A_285 = arith.constant 0 : i32
    %dma_start3A_286 = arith.constant 0 : i32
    %dma_start3A_287 = arith.constant 0 : i32
    %dma_start3A_288 = tpu.memref_slice %arg5[%dma_start3A_284, %dma_start3A_286, %dma_start3A_287] : memref<3x32x1024xf32, #tpu.memory_space<vmem>> -> memref<1x32x1024xf32, #tpu.memory_space<vmem>>
    %dma_start3A_289 = tpu.memref_squeeze %dma_start3A_288 : memref<1x32x1024xf32, #tpu.memory_space<vmem>> -> memref<32x1024xf32, #tpu.memory_space<vmem>>
    %dma_start3A_290 = arith.constant 0 : i32
    %dma_start3A_291 = tpu.memref_slice %arg4[%add3A_283, %dma_start3A_290] : memref<16384x1024xf32, #tpu.memory_space<hbm>> -> memref<32x1024xf32, #tpu.memory_space<hbm>>
    %dma_start3A_292 = tpu.memref_slice %arg8[%dma_start3A_285] : memref<3x!tpu.dma_semaphore, #tpu.memory_space<semaphore_mem>> -> memref<1x!tpu.dma_semaphore, #tpu.memory_space<semaphore_mem>>
    %dma_start3A_293 = tpu.memref_squeeze %dma_start3A_292 : memref<1x!tpu.dma_semaphore, #tpu.memory_space<semaphore_mem>> -> memref<!tpu.dma_semaphore, #tpu.memory_space<semaphore_mem>>
    %dma_start3A_294 = arith.constant 0 : i32
    %dma_start3A_295 = tpu.memref_slice %arg4[%add3A_283, %dma_start3A_294] : memref<16384x1024xf32, #tpu.memory_space<hbm>> -> memref<32x1024xf32, #tpu.memory_space<hbm>>
    %dma_start3A_296 = arith.constant 0 : i32
    %dma_start3A_297 = arith.constant 0 : i32
    %dma_start3A_298 = tpu.memref_slice %arg5[%dma_start3A_284, %dma_start3A_296, %dma_start3A_297] : memref<3x32x1024xf32, #tpu.memory_space<vmem>> -> memref<1x32x1024xf32, #tpu.memory_space<vmem>>
    %dma_start3A_299 = tpu.memref_squeeze %dma_start3A_298 : memref<1x32x1024xf32, #tpu.memory_space<vmem>> -> memref<32x1024xf32, #tpu.memory_space<vmem>>
    tpu.enqueue_dma source(%dma_start3A_299 : memref<32x1024xf32, #tpu.memory_space<vmem>>) target(%dma_start3A_295 : memref<32x1024xf32, #tpu.memory_space<hbm>>) target_semaphore(%dma_start3A_293 : memref<!tpu.dma_semaphore, #tpu.memory_space<semaphore_mem>>)
    %dma_wait3A_300 = arith.constant 0 : i32
    %dma_wait3A_301 = arith.constant 0 : i32
    %dma_wait3A_302 = arith.constant 0 : i32
    %dma_wait3A_303 = arith.constant 0 : i32
    %dma_wait3A_304 = tpu.memref_slice %arg5[%dma_wait3A_300, %dma_wait3A_302, %dma_wait3A_303] : memref<3x32x1024xf32, #tpu.memory_space<vmem>> -> memref<1x32x1024xf32, #tpu.memory_space<vmem>>
    %dma_wait3A_305 = tpu.memref_squeeze %dma_wait3A_304 : memref<1x32x1024xf32, #tpu.memory_space<vmem>> -> memref<32x1024xf32, #tpu.memory_space<vmem>>
    %dma_wait3A_306 = arith.constant 0 : i32
    %dma_wait3A_307 = tpu.memref_slice %arg4[%add3A_283, %dma_wait3A_306] : memref<16384x1024xf32, #tpu.memory_space<hbm>> -> memref<32x1024xf32, #tpu.memory_space<hbm>>
    %dma_wait3A_308 = tpu.memref_slice %arg8[%dma_wait3A_301] : memref<3x!tpu.dma_semaphore, #tpu.memory_space<semaphore_mem>> -> memref<1x!tpu.dma_semaphore, #tpu.memory_space<semaphore_mem>>
    %dma_wait3A_309 = tpu.memref_squeeze %dma_wait3A_308 : memref<1x!tpu.dma_semaphore, #tpu.memory_space<semaphore_mem>> -> memref<!tpu.dma_semaphore, #tpu.memory_space<semaphore_mem>>
    %dma_wait3A_310 = arith.constant 0 : i32
    %dma_wait3A_311 = tpu.memref_slice %arg4[%add3A_283, %dma_wait3A_310] : memref<16384x1024xf32, #tpu.memory_space<hbm>> -> memref<32x1024xf32, #tpu.memory_space<hbm>>
    %dma_wait3A_312 = arith.constant 0 : i32
    %dma_wait3A_313 = arith.constant 0 : i32
    %dma_wait3A_314 = tpu.memref_slice %arg5[%dma_wait3A_300, %dma_wait3A_312, %dma_wait3A_313] : memref<3x32x1024xf32, #tpu.memory_space<vmem>> -> memref<1x32x1024xf32, #tpu.memory_space<vmem>>
    %dma_wait3A_315 = tpu.memref_squeeze %dma_wait3A_314 : memref<1x32x1024xf32, #tpu.memory_space<vmem>> -> memref<32x1024xf32, #tpu.memory_space<vmem>>
    tpu.wait_dma2 semaphore(%dma_wait3A_309 : memref<!tpu.dma_semaphore, #tpu.memory_space<semaphore_mem>>) src(%dma_wait3A_315 : memref<32x1024xf32, #tpu.memory_space<vmem>>) dst(%dma_wait3A_311 : memref<32x1024xf32, #tpu.memory_space<hbm>>)
    %add3A_316 = arith.constant 192 : i32
    %add3A_317 = arith.addi %mul3A_2, %add3A_316 : i32
    %dma_start3A_318 = arith.constant 0 : i32
    %dma_start3A_319 = arith.constant 0 : i32
    %dma_start3A_320 = arith.constant 0 : i32
    %dma_start3A_321 = arith.constant 0 : i32
    %dma_start3A_322 = tpu.memref_slice %arg5[%dma_start3A_318, %dma_start3A_320, %dma_start3A_321] : memref<3x32x1024xf32, #tpu.memory_space<vmem>> -> memref<1x32x1024xf32, #tpu.memory_space<vmem>>
    %dma_start3A_323 = tpu.memref_squeeze %dma_start3A_322 : memref<1x32x1024xf32, #tpu.memory_space<vmem>> -> memref<32x1024xf32, #tpu.memory_space<vmem>>
    %dma_start3A_324 = arith.constant 0 : i32
    %dma_start3A_325 = tpu.memref_slice %arg2[%add3A_317, %dma_start3A_324] : memref<16384x1024xf32, #tpu.memory_space<hbm>> -> memref<32x1024xf32, #tpu.memory_space<hbm>>
    %dma_start3A_326 = tpu.memref_slice %arg7[%dma_start3A_319] : memref<3x!tpu.dma_semaphore, #tpu.memory_space<semaphore_mem>> -> memref<1x!tpu.dma_semaphore, #tpu.memory_space<semaphore_mem>>
    %dma_start3A_327 = tpu.memref_squeeze %dma_start3A_326 : memref<1x!tpu.dma_semaphore, #tpu.memory_space<semaphore_mem>> -> memref<!tpu.dma_semaphore, #tpu.memory_space<semaphore_mem>>
    %dma_start3A_328 = arith.constant 0 : i32
    %dma_start3A_329 = arith.constant 0 : i32
    %dma_start3A_330 = tpu.memref_slice %arg5[%dma_start3A_318, %dma_start3A_328, %dma_start3A_329] : memref<3x32x1024xf32, #tpu.memory_space<vmem>> -> memref<1x32x1024xf32, #tpu.memory_space<vmem>>
    %dma_start3A_331 = tpu.memref_squeeze %dma_start3A_330 : memref<1x32x1024xf32, #tpu.memory_space<vmem>> -> memref<32x1024xf32, #tpu.memory_space<vmem>>
    %dma_start3A_332 = arith.constant 0 : i32
    %dma_start3A_333 = tpu.memref_slice %arg2[%add3A_317, %dma_start3A_332] : memref<16384x1024xf32, #tpu.memory_space<hbm>> -> memref<32x1024xf32, #tpu.memory_space<hbm>>
    tpu.enqueue_dma source(%dma_start3A_333 : memref<32x1024xf32, #tpu.memory_space<hbm>>) target(%dma_start3A_331 : memref<32x1024xf32, #tpu.memory_space<vmem>>) target_semaphore(%dma_start3A_327 : memref<!tpu.dma_semaphore, #tpu.memory_space<semaphore_mem>>)
    %dma_wait3A_334 = arith.constant 1 : i32
    %dma_wait3A_335 = arith.constant 1 : i32
    %dma_wait3A_336 = arith.constant 0 : i32
    %dma_wait3A_337 = arith.constant 0 : i32
    %dma_wait3A_338 = tpu.memref_slice %arg5[%dma_wait3A_334, %dma_wait3A_336, %dma_wait3A_337] : memref<3x32x1024xf32, #tpu.memory_space<vmem>> -> memref<1x32x1024xf32, #tpu.memory_space<vmem>>
    %dma_wait3A_339 = tpu.memref_squeeze %dma_wait3A_338 : memref<1x32x1024xf32, #tpu.memory_space<vmem>> -> memref<32x1024xf32, #tpu.memory_space<vmem>>
    %dma_wait3A_340 = arith.constant 0 : i32
    %dma_wait3A_341 = tpu.memref_slice %arg2[%add3A_181, %dma_wait3A_340] : memref<16384x1024xf32, #tpu.memory_space<hbm>> -> memref<32x1024xf32, #tpu.memory_space<hbm>>
    %dma_wait3A_342 = tpu.memref_slice %arg7[%dma_wait3A_335] : memref<3x!tpu.dma_semaphore, #tpu.memory_space<semaphore_mem>> -> memref<1x!tpu.dma_semaphore, #tpu.memory_space<semaphore_mem>>
    %dma_wait3A_343 = tpu.memref_squeeze %dma_wait3A_342 : memref<1x!tpu.dma_semaphore, #tpu.memory_space<semaphore_mem>> -> memref<!tpu.dma_semaphore, #tpu.memory_space<semaphore_mem>>
    %dma_wait3A_344 = arith.constant 0 : i32
    %dma_wait3A_345 = arith.constant 0 : i32
    %dma_wait3A_346 = tpu.memref_slice %arg5[%dma_wait3A_334, %dma_wait3A_344, %dma_wait3A_345] : memref<3x32x1024xf32, #tpu.memory_space<vmem>> -> memref<1x32x1024xf32, #tpu.memory_space<vmem>>
    %dma_wait3A_347 = tpu.memref_squeeze %dma_wait3A_346 : memref<1x32x1024xf32, #tpu.memory_space<vmem>> -> memref<32x1024xf32, #tpu.memory_space<vmem>>
    %dma_wait3A_348 = arith.constant 0 : i32
    %dma_wait3A_349 = tpu.memref_slice %arg2[%add3A_181, %dma_wait3A_348] : memref<16384x1024xf32, #tpu.memory_space<hbm>> -> memref<32x1024xf32, #tpu.memory_space<hbm>>
    tpu.wait_dma2 semaphore(%dma_wait3A_343 : memref<!tpu.dma_semaphore, #tpu.memory_space<semaphore_mem>>) src(%dma_wait3A_349 : memref<32x1024xf32, #tpu.memory_space<hbm>>) dst(%dma_wait3A_347 : memref<32x1024xf32, #tpu.memory_space<vmem>>)
    %add3A_350 = arith.constant 128 : i32
    %add3A_351 = arith.addi %mul3A_2, %add3A_350 : i32
    %dma_start3A_352 = arith.constant 1 : i32
    %dma_start3A_353 = arith.constant 1 : i32
    %dma_start3A_354 = arith.constant 0 : i32
    %dma_start3A_355 = arith.constant 0 : i32
    %dma_start3A_356 = tpu.memref_slice %arg5[%dma_start3A_352, %dma_start3A_354, %dma_start3A_355] : memref<3x32x1024xf32, #tpu.memory_space<vmem>> -> memref<1x32x1024xf32, #tpu.memory_space<vmem>>
    %dma_start3A_357 = tpu.memref_squeeze %dma_start3A_356 : memref<1x32x1024xf32, #tpu.memory_space<vmem>> -> memref<32x1024xf32, #tpu.memory_space<vmem>>
    %dma_start3A_358 = arith.constant 0 : i32
    %dma_start3A_359 = tpu.memref_slice %arg4[%add3A_351, %dma_start3A_358] : memref<16384x1024xf32, #tpu.memory_space<hbm>> -> memref<32x1024xf32, #tpu.memory_space<hbm>>
    %dma_start3A_360 = tpu.memref_slice %arg8[%dma_start3A_353] : memref<3x!tpu.dma_semaphore, #tpu.memory_space<semaphore_mem>> -> memref<1x!tpu.dma_semaphore, #tpu.memory_space<semaphore_mem>>
    %dma_start3A_361 = tpu.memref_squeeze %dma_start3A_360 : memref<1x!tpu.dma_semaphore, #tpu.memory_space<semaphore_mem>> -> memref<!tpu.dma_semaphore, #tpu.memory_space<semaphore_mem>>
    %dma_start3A_362 = arith.constant 0 : i32
    %dma_start3A_363 = tpu.memref_slice %arg4[%add3A_351, %dma_start3A_362] : memref<16384x1024xf32, #tpu.memory_space<hbm>> -> memref<32x1024xf32, #tpu.memory_space<hbm>>
    %dma_start3A_364 = arith.constant 0 : i32
    %dma_start3A_365 = arith.constant 0 : i32
    %dma_start3A_366 = tpu.memref_slice %arg5[%dma_start3A_352, %dma_start3A_364, %dma_start3A_365] : memref<3x32x1024xf32, #tpu.memory_space<vmem>> -> memref<1x32x1024xf32, #tpu.memory_space<vmem>>
    %dma_start3A_367 = tpu.memref_squeeze %dma_start3A_366 : memref<1x32x1024xf32, #tpu.memory_space<vmem>> -> memref<32x1024xf32, #tpu.memory_space<vmem>>
    tpu.enqueue_dma source(%dma_start3A_367 : memref<32x1024xf32, #tpu.memory_space<vmem>>) target(%dma_start3A_363 : memref<32x1024xf32, #tpu.memory_space<hbm>>) target_semaphore(%dma_start3A_361 : memref<!tpu.dma_semaphore, #tpu.memory_space<semaphore_mem>>)
    %dma_wait3A_368 = arith.constant 1 : i32
    %dma_wait3A_369 = arith.constant 1 : i32
    %dma_wait3A_370 = arith.constant 0 : i32
    %dma_wait3A_371 = arith.constant 0 : i32
    %dma_wait3A_372 = tpu.memref_slice %arg5[%dma_wait3A_368, %dma_wait3A_370, %dma_wait3A_371] : memref<3x32x1024xf32, #tpu.memory_space<vmem>> -> memref<1x32x1024xf32, #tpu.memory_space<vmem>>
    %dma_wait3A_373 = tpu.memref_squeeze %dma_wait3A_372 : memref<1x32x1024xf32, #tpu.memory_space<vmem>> -> memref<32x1024xf32, #tpu.memory_space<vmem>>
    %dma_wait3A_374 = arith.constant 0 : i32
    %dma_wait3A_375 = tpu.memref_slice %arg4[%add3A_351, %dma_wait3A_374] : memref<16384x1024xf32, #tpu.memory_space<hbm>> -> memref<32x1024xf32, #tpu.memory_space<hbm>>
    %dma_wait3A_376 = tpu.memref_slice %arg8[%dma_wait3A_369] : memref<3x!tpu.dma_semaphore, #tpu.memory_space<semaphore_mem>> -> memref<1x!tpu.dma_semaphore, #tpu.memory_space<semaphore_mem>>
    %dma_wait3A_377 = tpu.memref_squeeze %dma_wait3A_376 : memref<1x!tpu.dma_semaphore, #tpu.memory_space<semaphore_mem>> -> memref<!tpu.dma_semaphore, #tpu.memory_space<semaphore_mem>>
    %dma_wait3A_378 = arith.constant 0 : i32
    %dma_wait3A_379 = tpu.memref_slice %arg4[%add3A_351, %dma_wait3A_378] : memref<16384x1024xf32, #tpu.memory_space<hbm>> -> memref<32x1024xf32, #tpu.memory_space<hbm>>
    %dma_wait3A_380 = arith.constant 0 : i32
    %dma_wait3A_381 = arith.constant 0 : i32
    %dma_wait3A_382 = tpu.memref_slice %arg5[%dma_wait3A_368, %dma_wait3A_380, %dma_wait3A_381] : memref<3x32x1024xf32, #tpu.memory_space<vmem>> -> memref<1x32x1024xf32, #tpu.memory_space<vmem>>
    %dma_wait3A_383 = tpu.memref_squeeze %dma_wait3A_382 : memref<1x32x1024xf32, #tpu.memory_space<vmem>> -> memref<32x1024xf32, #tpu.memory_space<vmem>>
    tpu.wait_dma2 semaphore(%dma_wait3A_377 : memref<!tpu.dma_semaphore, #tpu.memory_space<semaphore_mem>>) src(%dma_wait3A_383 : memref<32x1024xf32, #tpu.memory_space<vmem>>) dst(%dma_wait3A_379 : memref<32x1024xf32, #tpu.memory_space<hbm>>)
    %add3A_384 = arith.constant 224 : i32
    %add3A_385 = arith.addi %mul3A_2, %add3A_384 : i32
    %dma_start3A_386 = arith.constant 1 : i32
    %dma_start3A_387 = arith.constant 1 : i32
    %dma_start3A_388 = arith.constant 0 : i32
    %dma_start3A_389 = arith.constant 0 : i32
    %dma_start3A_390 = tpu.memref_slice %arg5[%dma_start3A_386, %dma_start3A_388, %dma_start3A_389] : memref<3x32x1024xf32, #tpu.memory_space<vmem>> -> memref<1x32x1024xf32, #tpu.memory_space<vmem>>
    %dma_start3A_391 = tpu.memref_squeeze %dma_start3A_390 : memref<1x32x1024xf32, #tpu.memory_space<vmem>> -> memref<32x1024xf32, #tpu.memory_space<vmem>>
    %dma_start3A_392 = arith.constant 0 : i32
    %dma_start3A_393 = tpu.memref_slice %arg2[%add3A_385, %dma_start3A_392] : memref<16384x1024xf32, #tpu.memory_space<hbm>> -> memref<32x1024xf32, #tpu.memory_space<hbm>>
    %dma_start3A_394 = tpu.memref_slice %arg7[%dma_start3A_387] : memref<3x!tpu.dma_semaphore, #tpu.memory_space<semaphore_mem>> -> memref<1x!tpu.dma_semaphore, #tpu.memory_space<semaphore_mem>>
    %dma_start3A_395 = tpu.memref_squeeze %dma_start3A_394 : memref<1x!tpu.dma_semaphore, #tpu.memory_space<semaphore_mem>> -> memref<!tpu.dma_semaphore, #tpu.memory_space<semaphore_mem>>
    %dma_start3A_396 = arith.constant 0 : i32
    %dma_start3A_397 = arith.constant 0 : i32
    %dma_start3A_398 = tpu.memref_slice %arg5[%dma_start3A_386, %dma_start3A_396, %dma_start3A_397] : memref<3x32x1024xf32, #tpu.memory_space<vmem>> -> memref<1x32x1024xf32, #tpu.memory_space<vmem>>
    %dma_start3A_399 = tpu.memref_squeeze %dma_start3A_398 : memref<1x32x1024xf32, #tpu.memory_space<vmem>> -> memref<32x1024xf32, #tpu.memory_space<vmem>>
    %dma_start3A_400 = arith.constant 0 : i32
    %dma_start3A_401 = tpu.memref_slice %arg2[%add3A_385, %dma_start3A_400] : memref<16384x1024xf32, #tpu.memory_space<hbm>> -> memref<32x1024xf32, #tpu.memory_space<hbm>>
    tpu.enqueue_dma source(%dma_start3A_401 : memref<32x1024xf32, #tpu.memory_space<hbm>>) target(%dma_start3A_399 : memref<32x1024xf32, #tpu.memory_space<vmem>>) target_semaphore(%dma_start3A_395 : memref<!tpu.dma_semaphore, #tpu.memory_space<semaphore_mem>>)
    %dma_wait3A_402 = arith.constant 2 : i32
    %dma_wait3A_403 = arith.constant 2 : i32
    %dma_wait3A_404 = arith.constant 0 : i32
    %dma_wait3A_405 = arith.constant 0 : i32
    %dma_wait3A_406 = tpu.memref_slice %arg5[%dma_wait3A_402, %dma_wait3A_404, %dma_wait3A_405] : memref<3x32x1024xf32, #tpu.memory_space<vmem>> -> memref<1x32x1024xf32, #tpu.memory_space<vmem>>
    %dma_wait3A_407 = tpu.memref_squeeze %dma_wait3A_406 : memref<1x32x1024xf32, #tpu.memory_space<vmem>> -> memref<32x1024xf32, #tpu.memory_space<vmem>>
    %dma_wait3A_408 = arith.constant 0 : i32
    %dma_wait3A_409 = tpu.memref_slice %arg2[%add3A_249, %dma_wait3A_408] : memref<16384x1024xf32, #tpu.memory_space<hbm>> -> memref<32x1024xf32, #tpu.memory_space<hbm>>
    %dma_wait3A_410 = tpu.memref_slice %arg7[%dma_wait3A_403] : memref<3x!tpu.dma_semaphore, #tpu.memory_space<semaphore_mem>> -> memref<1x!tpu.dma_semaphore, #tpu.memory_space<semaphore_mem>>
    %dma_wait3A_411 = tpu.memref_squeeze %dma_wait3A_410 : memref<1x!tpu.dma_semaphore, #tpu.memory_space<semaphore_mem>> -> memref<!tpu.dma_semaphore, #tpu.memory_space<semaphore_mem>>
    %dma_wait3A_412 = arith.constant 0 : i32
    %dma_wait3A_413 = arith.constant 0 : i32
    %dma_wait3A_414 = tpu.memref_slice %arg5[%dma_wait3A_402, %dma_wait3A_412, %dma_wait3A_413] : memref<3x32x1024xf32, #tpu.memory_space<vmem>> -> memref<1x32x1024xf32, #tpu.memory_space<vmem>>
    %dma_wait3A_415 = tpu.memref_squeeze %dma_wait3A_414 : memref<1x32x1024xf32, #tpu.memory_space<vmem>> -> memref<32x1024xf32, #tpu.memory_space<vmem>>
    %dma_wait3A_416 = arith.constant 0 : i32
    %dma_wait3A_417 = tpu.memref_slice %arg2[%add3A_249, %dma_wait3A_416] : memref<16384x1024xf32, #tpu.memory_space<hbm>> -> memref<32x1024xf32, #tpu.memory_space<hbm>>
    tpu.wait_dma2 semaphore(%dma_wait3A_411 : memref<!tpu.dma_semaphore, #tpu.memory_space<semaphore_mem>>) src(%dma_wait3A_417 : memref<32x1024xf32, #tpu.memory_space<hbm>>) dst(%dma_wait3A_415 : memref<32x1024xf32, #tpu.memory_space<vmem>>)
    %add3A_418 = arith.constant 160 : i32
    %add3A_419 = arith.addi %mul3A_2, %add3A_418 : i32
    %dma_start3A_420 = arith.constant 2 : i32
    %dma_start3A_421 = arith.constant 2 : i32
    %dma_start3A_422 = arith.constant 0 : i32
    %dma_start3A_423 = arith.constant 0 : i32
    %dma_start3A_424 = tpu.memref_slice %arg5[%dma_start3A_420, %dma_start3A_422, %dma_start3A_423] : memref<3x32x1024xf32, #tpu.memory_space<vmem>> -> memref<1x32x1024xf32, #tpu.memory_space<vmem>>
    %dma_start3A_425 = tpu.memref_squeeze %dma_start3A_424 : memref<1x32x1024xf32, #tpu.memory_space<vmem>> -> memref<32x1024xf32, #tpu.memory_space<vmem>>
    %dma_start3A_426 = arith.constant 0 : i32
    %dma_start3A_427 = tpu.memref_slice %arg4[%add3A_419, %dma_start3A_426] : memref<16384x1024xf32, #tpu.memory_space<hbm>> -> memref<32x1024xf32, #tpu.memory_space<hbm>>
    %dma_start3A_428 = tpu.memref_slice %arg8[%dma_start3A_421] : memref<3x!tpu.dma_semaphore, #tpu.memory_space<semaphore_mem>> -> memref<1x!tpu.dma_semaphore, #tpu.memory_space<semaphore_mem>>
    %dma_start3A_429 = tpu.memref_squeeze %dma_start3A_428 : memref<1x!tpu.dma_semaphore, #tpu.memory_space<semaphore_mem>> -> memref<!tpu.dma_semaphore, #tpu.memory_space<semaphore_mem>>
    %dma_start3A_430 = arith.constant 0 : i32
    %dma_start3A_431 = tpu.memref_slice %arg4[%add3A_419, %dma_start3A_430] : memref<16384x1024xf32, #tpu.memory_space<hbm>> -> memref<32x1024xf32, #tpu.memory_space<hbm>>
    %dma_start3A_432 = arith.constant 0 : i32
    %dma_start3A_433 = arith.constant 0 : i32
    %dma_start3A_434 = tpu.memref_slice %arg5[%dma_start3A_420, %dma_start3A_432, %dma_start3A_433] : memref<3x32x1024xf32, #tpu.memory_space<vmem>> -> memref<1x32x1024xf32, #tpu.memory_space<vmem>>
    %dma_start3A_435 = tpu.memref_squeeze %dma_start3A_434 : memref<1x32x1024xf32, #tpu.memory_space<vmem>> -> memref<32x1024xf32, #tpu.memory_space<vmem>>
    tpu.enqueue_dma source(%dma_start3A_435 : memref<32x1024xf32, #tpu.memory_space<vmem>>) target(%dma_start3A_431 : memref<32x1024xf32, #tpu.memory_space<hbm>>) target_semaphore(%dma_start3A_429 : memref<!tpu.dma_semaphore, #tpu.memory_space<semaphore_mem>>)
    %dma_wait3A_436 = arith.constant 2 : i32
    %dma_wait3A_437 = arith.constant 2 : i32
    %dma_wait3A_438 = arith.constant 0 : i32
    %dma_wait3A_439 = arith.constant 0 : i32
    %dma_wait3A_440 = tpu.memref_slice %arg5[%dma_wait3A_436, %dma_wait3A_438, %dma_wait3A_439] : memref<3x32x1024xf32, #tpu.memory_space<vmem>> -> memref<1x32x1024xf32, #tpu.memory_space<vmem>>
    %dma_wait3A_441 = tpu.memref_squeeze %dma_wait3A_440 : memref<1x32x1024xf32, #tpu.memory_space<vmem>> -> memref<32x1024xf32, #tpu.memory_space<vmem>>
    %dma_wait3A_442 = arith.constant 0 : i32
    %dma_wait3A_443 = tpu.memref_slice %arg4[%add3A_419, %dma_wait3A_442] : memref<16384x1024xf32, #tpu.memory_space<hbm>> -> memref<32x1024xf32, #tpu.memory_space<hbm>>
    %dma_wait3A_444 = tpu.memref_slice %arg8[%dma_wait3A_437] : memref<3x!tpu.dma_semaphore, #tpu.memory_space<semaphore_mem>> -> memref<1x!tpu.dma_semaphore, #tpu.memory_space<semaphore_mem>>
    %dma_wait3A_445 = tpu.memref_squeeze %dma_wait3A_444 : memref<1x!tpu.dma_semaphore, #tpu.memory_space<semaphore_mem>> -> memref<!tpu.dma_semaphore, #tpu.memory_space<semaphore_mem>>
    %dma_wait3A_446 = arith.constant 0 : i32
    %dma_wait3A_447 = tpu.memref_slice %arg4[%add3A_419, %dma_wait3A_446] : memref<16384x1024xf32, #tpu.memory_space<hbm>> -> memref<32x1024xf32, #tpu.memory_space<hbm>>
    %dma_wait3A_448 = arith.constant 0 : i32
    %dma_wait3A_449 = arith.constant 0 : i32
    %dma_wait3A_450 = tpu.memref_slice %arg5[%dma_wait3A_436, %dma_wait3A_448, %dma_wait3A_449] : memref<3x32x1024xf32, #tpu.memory_space<vmem>> -> memref<1x32x1024xf32, #tpu.memory_space<vmem>>
    %dma_wait3A_451 = tpu.memref_squeeze %dma_wait3A_450 : memref<1x32x1024xf32, #tpu.memory_space<vmem>> -> memref<32x1024xf32, #tpu.memory_space<vmem>>
    tpu.wait_dma2 semaphore(%dma_wait3A_445 : memref<!tpu.dma_semaphore, #tpu.memory_space<semaphore_mem>>) src(%dma_wait3A_451 : memref<32x1024xf32, #tpu.memory_space<vmem>>) dst(%dma_wait3A_447 : memref<32x1024xf32, #tpu.memory_space<hbm>>)
    %add3A_452 = arith.constant 256 : i32
    %add3A_453 = arith.addi %mul3A_2, %add3A_452 : i32
    %dma_start3A_454 = arith.constant 2 : i32
    %dma_start3A_455 = arith.constant 2 : i32
    %dma_start3A_456 = arith.constant 0 : i32
    %dma_start3A_457 = arith.constant 0 : i32
    %dma_start3A_458 = tpu.memref_slice %arg5[%dma_start3A_454, %dma_start3A_456, %dma_start3A_457] : memref<3x32x1024xf32, #tpu.memory_space<vmem>> -> memref<1x32x1024xf32, #tpu.memory_space<vmem>>
    %dma_start3A_459 = tpu.memref_squeeze %dma_start3A_458 : memref<1x32x1024xf32, #tpu.memory_space<vmem>> -> memref<32x1024xf32, #tpu.memory_space<vmem>>
    %dma_start3A_460 = arith.constant 0 : i32
    %dma_start3A_461 = tpu.memref_slice %arg2[%add3A_453, %dma_start3A_460] : memref<16384x1024xf32, #tpu.memory_space<hbm>> -> memref<32x1024xf32, #tpu.memory_space<hbm>>
    %dma_start3A_462 = tpu.memref_slice %arg7[%dma_start3A_455] : memref<3x!tpu.dma_semaphore, #tpu.memory_space<semaphore_mem>> -> memref<1x!tpu.dma_semaphore, #tpu.memory_space<semaphore_mem>>
    %dma_start3A_463 = tpu.memref_squeeze %dma_start3A_462 : memref<1x!tpu.dma_semaphore, #tpu.memory_space<semaphore_mem>> -> memref<!tpu.dma_semaphore, #tpu.memory_space<semaphore_mem>>
    %dma_start3A_464 = arith.constant 0 : i32
    %dma_start3A_465 = arith.constant 0 : i32
    %dma_start3A_466 = tpu.memref_slice %arg5[%dma_start3A_454, %dma_start3A_464, %dma_start3A_465] : memref<3x32x1024xf32, #tpu.memory_space<vmem>> -> memref<1x32x1024xf32, #tpu.memory_space<vmem>>
    %dma_start3A_467 = tpu.memref_squeeze %dma_start3A_466 : memref<1x32x1024xf32, #tpu.memory_space<vmem>> -> memref<32x1024xf32, #tpu.memory_space<vmem>>
    %dma_start3A_468 = arith.constant 0 : i32
    %dma_start3A_469 = tpu.memref_slice %arg2[%add3A_453, %dma_start3A_468] : memref<16384x1024xf32, #tpu.memory_space<hbm>> -> memref<32x1024xf32, #tpu.memory_space<hbm>>
    tpu.enqueue_dma source(%dma_start3A_469 : memref<32x1024xf32, #tpu.memory_space<hbm>>) target(%dma_start3A_467 : memref<32x1024xf32, #tpu.memory_space<vmem>>) target_semaphore(%dma_start3A_463 : memref<!tpu.dma_semaphore, #tpu.memory_space<semaphore_mem>>)
    %dma_wait3A_470 = arith.constant 0 : i32
    %dma_wait3A_471 = arith.constant 0 : i32
    %dma_wait3A_472 = arith.constant 0 : i32
    %dma_wait3A_473 = arith.constant 0 : i32
    %dma_wait3A_474 = tpu.memref_slice %arg5[%dma_wait3A_470, %dma_wait3A_472, %dma_wait3A_473] : memref<3x32x1024xf32, #tpu.memory_space<vmem>> -> memref<1x32x1024xf32, #tpu.memory_space<vmem>>
    %dma_wait3A_475 = tpu.memref_squeeze %dma_wait3A_474 : memref<1x32x1024xf32, #tpu.memory_space<vmem>> -> memref<32x1024xf32, #tpu.memory_space<vmem>>
    %dma_wait3A_476 = arith.constant 0 : i32
    %dma_wait3A_477 = tpu.memref_slice %arg2[%add3A_317, %dma_wait3A_476] : memref<16384x1024xf32, #tpu.memory_space<hbm>> -> memref<32x1024xf32, #tpu.memory_space<hbm>>
    %dma_wait3A_478 = tpu.memref_slice %arg7[%dma_wait3A_471] : memref<3x!tpu.dma_semaphore, #tpu.memory_space<semaphore_mem>> -> memref<1x!tpu.dma_semaphore, #tpu.memory_space<semaphore_mem>>
    %dma_wait3A_479 = tpu.memref_squeeze %dma_wait3A_478 : memref<1x!tpu.dma_semaphore, #tpu.memory_space<semaphore_mem>> -> memref<!tpu.dma_semaphore, #tpu.memory_space<semaphore_mem>>
    %dma_wait3A_480 = arith.constant 0 : i32
    %dma_wait3A_481 = arith.constant 0 : i32
    %dma_wait3A_482 = tpu.memref_slice %arg5[%dma_wait3A_470, %dma_wait3A_480, %dma_wait3A_481] : memref<3x32x1024xf32, #tpu.memory_space<vmem>> -> memref<1x32x1024xf32, #tpu.memory_space<vmem>>
    %dma_wait3A_483 = tpu.memref_squeeze %dma_wait3A_482 : memref<1x32x1024xf32, #tpu.memory_space<vmem>> -> memref<32x1024xf32, #tpu.memory_space<vmem>>
    %dma_wait3A_484 = arith.constant 0 : i32
    %dma_wait3A_485 = tpu.memref_slice %arg2[%add3A_317, %dma_wait3A_484] : memref<16384x1024xf32, #tpu.memory_space<hbm>> -> memref<32x1024xf32, #tpu.memory_space<hbm>>
    tpu.wait_dma2 semaphore(%dma_wait3A_479 : memref<!tpu.dma_semaphore, #tpu.memory_space<semaphore_mem>>) src(%dma_wait3A_485 : memref<32x1024xf32, #tpu.memory_space<hbm>>) dst(%dma_wait3A_483 : memref<32x1024xf32, #tpu.memory_space<vmem>>)
    %add3A_486 = arith.constant 192 : i32
    %add3A_487 = arith.addi %mul3A_2, %add3A_486 : i32
    %dma_start3A_488 = arith.constant 0 : i32
    %dma_start3A_489 = arith.constant 0 : i32
    %dma_start3A_490 = arith.constant 0 : i32
    %dma_start3A_491 = arith.constant 0 : i32
    %dma_start3A_492 = tpu.memref_slice %arg5[%dma_start3A_488, %dma_start3A_490, %dma_start3A_491] : memref<3x32x1024xf32, #tpu.memory_space<vmem>> -> memref<1x32x1024xf32, #tpu.memory_space<vmem>>
    %dma_start3A_493 = tpu.memref_squeeze %dma_start3A_492 : memref<1x32x1024xf32, #tpu.memory_space<vmem>> -> memref<32x1024xf32, #tpu.memory_space<vmem>>
    %dma_start3A_494 = arith.constant 0 : i32
    %dma_start3A_495 = tpu.memref_slice %arg4[%add3A_487, %dma_start3A_494] : memref<16384x1024xf32, #tpu.memory_space<hbm>> -> memref<32x1024xf32, #tpu.memory_space<hbm>>
    %dma_start3A_496 = tpu.memref_slice %arg8[%dma_start3A_489] : memref<3x!tpu.dma_semaphore, #tpu.memory_space<semaphore_mem>> -> memref<1x!tpu.dma_semaphore, #tpu.memory_space<semaphore_mem>>
    %dma_start3A_497 = tpu.memref_squeeze %dma_start3A_496 : memref<1x!tpu.dma_semaphore, #tpu.memory_space<semaphore_mem>> -> memref<!tpu.dma_semaphore, #tpu.memory_space<semaphore_mem>>
    %dma_start3A_498 = arith.constant 0 : i32
    %dma_start3A_499 = tpu.memref_slice %arg4[%add3A_487, %dma_start3A_498] : memref<16384x1024xf32, #tpu.memory_space<hbm>> -> memref<32x1024xf32, #tpu.memory_space<hbm>>
    %dma_start3A_500 = arith.constant 0 : i32
    %dma_start3A_501 = arith.constant 0 : i32
    %dma_start3A_502 = tpu.memref_slice %arg5[%dma_start3A_488, %dma_start3A_500, %dma_start3A_501] : memref<3x32x1024xf32, #tpu.memory_space<vmem>> -> memref<1x32x1024xf32, #tpu.memory_space<vmem>>
    %dma_start3A_503 = tpu.memref_squeeze %dma_start3A_502 : memref<1x32x1024xf32, #tpu.memory_space<vmem>> -> memref<32x1024xf32, #tpu.memory_space<vmem>>
    tpu.enqueue_dma source(%dma_start3A_503 : memref<32x1024xf32, #tpu.memory_space<vmem>>) target(%dma_start3A_499 : memref<32x1024xf32, #tpu.memory_space<hbm>>) target_semaphore(%dma_start3A_497 : memref<!tpu.dma_semaphore, #tpu.memory_space<semaphore_mem>>)
    %dma_wait3A_504 = arith.constant 0 : i32
    %dma_wait3A_505 = arith.constant 0 : i32
    %dma_wait3A_506 = arith.constant 0 : i32
    %dma_wait3A_507 = arith.constant 0 : i32
    %dma_wait3A_508 = tpu.memref_slice %arg5[%dma_wait3A_504, %dma_wait3A_506, %dma_wait3A_507] : memref<3x32x1024xf32, #tpu.memory_space<vmem>> -> memref<1x32x1024xf32, #tpu.memory_space<vmem>>
    %dma_wait3A_509 = tpu.memref_squeeze %dma_wait3A_508 : memref<1x32x1024xf32, #tpu.memory_space<vmem>> -> memref<32x1024xf32, #tpu.memory_space<vmem>>
    %dma_wait3A_510 = arith.constant 0 : i32
    %dma_wait3A_511 = tpu.memref_slice %arg4[%add3A_487, %dma_wait3A_510] : memref<16384x1024xf32, #tpu.memory_space<hbm>> -> memref<32x1024xf32, #tpu.memory_space<hbm>>
    %dma_wait3A_512 = tpu.memref_slice %arg8[%dma_wait3A_505] : memref<3x!tpu.dma_semaphore, #tpu.memory_space<semaphore_mem>> -> memref<1x!tpu.dma_semaphore, #tpu.memory_space<semaphore_mem>>
    %dma_wait3A_513 = tpu.memref_squeeze %dma_wait3A_512 : memref<1x!tpu.dma_semaphore, #tpu.memory_space<semaphore_mem>> -> memref<!tpu.dma_semaphore, #tpu.memory_space<semaphore_mem>>
    %dma_wait3A_514 = arith.constant 0 : i32
    %dma_wait3A_515 = tpu.memref_slice %arg4[%add3A_487, %dma_wait3A_514] : memref<16384x1024xf32, #tpu.memory_space<hbm>> -> memref<32x1024xf32, #tpu.memory_space<hbm>>
    %dma_wait3A_516 = arith.constant 0 : i32
    %dma_wait3A_517 = arith.constant 0 : i32
    %dma_wait3A_518 = tpu.memref_slice %arg5[%dma_wait3A_504, %dma_wait3A_516, %dma_wait3A_517] : memref<3x32x1024xf32, #tpu.memory_space<vmem>> -> memref<1x32x1024xf32, #tpu.memory_space<vmem>>
    %dma_wait3A_519 = tpu.memref_squeeze %dma_wait3A_518 : memref<1x32x1024xf32, #tpu.memory_space<vmem>> -> memref<32x1024xf32, #tpu.memory_space<vmem>>
    tpu.wait_dma2 semaphore(%dma_wait3A_513 : memref<!tpu.dma_semaphore, #tpu.memory_space<semaphore_mem>>) src(%dma_wait3A_519 : memref<32x1024xf32, #tpu.memory_space<vmem>>) dst(%dma_wait3A_515 : memref<32x1024xf32, #tpu.memory_space<hbm>>)
    %add3A_520 = arith.constant 288 : i32
    %add3A_521 = arith.addi %mul3A_2, %add3A_520 : i32
    %dma_start3A_522 = arith.constant 0 : i32
    %dma_start3A_523 = arith.constant 0 : i32
    %dma_start3A_524 = arith.constant 0 : i32
    %dma_start3A_525 = arith.constant 0 : i32
    %dma_start3A_526 = tpu.memref_slice %arg5[%dma_start3A_522, %dma_start3A_524, %dma_start3A_525] : memref<3x32x1024xf32, #tpu.memory_space<vmem>> -> memref<1x32x1024xf32, #tpu.memory_space<vmem>>
    %dma_start3A_527 = tpu.memref_squeeze %dma_start3A_526 : memref<1x32x1024xf32, #tpu.memory_space<vmem>> -> memref<32x1024xf32, #tpu.memory_space<vmem>>
    %dma_start3A_528 = arith.constant 0 : i32
    %dma_start3A_529 = tpu.memref_slice %arg2[%add3A_521, %dma_start3A_528] : memref<16384x1024xf32, #tpu.memory_space<hbm>> -> memref<32x1024xf32, #tpu.memory_space<hbm>>
    %dma_start3A_530 = tpu.memref_slice %arg7[%dma_start3A_523] : memref<3x!tpu.dma_semaphore, #tpu.memory_space<semaphore_mem>> -> memref<1x!tpu.dma_semaphore, #tpu.memory_space<semaphore_mem>>
    %dma_start3A_531 = tpu.memref_squeeze %dma_start3A_530 : memref<1x!tpu.dma_semaphore, #tpu.memory_space<semaphore_mem>> -> memref<!tpu.dma_semaphore, #tpu.memory_space<semaphore_mem>>
    %dma_start3A_532 = arith.constant 0 : i32
    %dma_start3A_533 = arith.constant 0 : i32
    %dma_start3A_534 = tpu.memref_slice %arg5[%dma_start3A_522, %dma_start3A_532, %dma_start3A_533] : memref<3x32x1024xf32, #tpu.memory_space<vmem>> -> memref<1x32x1024xf32, #tpu.memory_space<vmem>>
    %dma_start3A_535 = tpu.memref_squeeze %dma_start3A_534 : memref<1x32x1024xf32, #tpu.memory_space<vmem>> -> memref<32x1024xf32, #tpu.memory_space<vmem>>
    %dma_start3A_536 = arith.constant 0 : i32
    %dma_start3A_537 = tpu.memref_slice %arg2[%add3A_521, %dma_start3A_536] : memref<16384x1024xf32, #tpu.memory_space<hbm>> -> memref<32x1024xf32, #tpu.memory_space<hbm>>
    tpu.enqueue_dma source(%dma_start3A_537 : memref<32x1024xf32, #tpu.memory_space<hbm>>) target(%dma_start3A_535 : memref<32x1024xf32, #tpu.memory_space<vmem>>) target_semaphore(%dma_start3A_531 : memref<!tpu.dma_semaphore, #tpu.memory_space<semaphore_mem>>)
    %dma_wait3A_538 = arith.constant 1 : i32
    %dma_wait3A_539 = arith.constant 1 : i32
    %dma_wait3A_540 = arith.constant 0 : i32
    %dma_wait3A_541 = arith.constant 0 : i32
    %dma_wait3A_542 = tpu.memref_slice %arg5[%dma_wait3A_538, %dma_wait3A_540, %dma_wait3A_541] : memref<3x32x1024xf32, #tpu.memory_space<vmem>> -> memref<1x32x1024xf32, #tpu.memory_space<vmem>>
    %dma_wait3A_543 = tpu.memref_squeeze %dma_wait3A_542 : memref<1x32x1024xf32, #tpu.memory_space<vmem>> -> memref<32x1024xf32, #tpu.memory_space<vmem>>
    %dma_wait3A_544 = arith.constant 0 : i32
    %dma_wait3A_545 = tpu.memref_slice %arg2[%add3A_385, %dma_wait3A_544] : memref<16384x1024xf32, #tpu.memory_space<hbm>> -> memref<32x1024xf32, #tpu.memory_space<hbm>>
    %dma_wait3A_546 = tpu.memref_slice %arg7[%dma_wait3A_539] : memref<3x!tpu.dma_semaphore, #tpu.memory_space<semaphore_mem>> -> memref<1x!tpu.dma_semaphore, #tpu.memory_space<semaphore_mem>>
    %dma_wait3A_547 = tpu.memref_squeeze %dma_wait3A_546 : memref<1x!tpu.dma_semaphore, #tpu.memory_space<semaphore_mem>> -> memref<!tpu.dma_semaphore, #tpu.memory_space<semaphore_mem>>
    %dma_wait3A_548 = arith.constant 0 : i32
    %dma_wait3A_549 = arith.constant 0 : i32
    %dma_wait3A_550 = tpu.memref_slice %arg5[%dma_wait3A_538, %dma_wait3A_548, %dma_wait3A_549] : memref<3x32x1024xf32, #tpu.memory_space<vmem>> -> memref<1x32x1024xf32, #tpu.memory_space<vmem>>
    %dma_wait3A_551 = tpu.memref_squeeze %dma_wait3A_550 : memref<1x32x1024xf32, #tpu.memory_space<vmem>> -> memref<32x1024xf32, #tpu.memory_space<vmem>>
    %dma_wait3A_552 = arith.constant 0 : i32
    %dma_wait3A_553 = tpu.memref_slice %arg2[%add3A_385, %dma_wait3A_552] : memref<16384x1024xf32, #tpu.memory_space<hbm>> -> memref<32x1024xf32, #tpu.memory_space<hbm>>
    tpu.wait_dma2 semaphore(%dma_wait3A_547 : memref<!tpu.dma_semaphore, #tpu.memory_space<semaphore_mem>>) src(%dma_wait3A_553 : memref<32x1024xf32, #tpu.memory_space<hbm>>) dst(%dma_wait3A_551 : memref<32x1024xf32, #tpu.memory_space<vmem>>)
    %add3A_554 = arith.constant 224 : i32
    %add3A_555 = arith.addi %mul3A_2, %add3A_554 : i32
    %dma_start3A_556 = arith.constant 1 : i32
    %dma_start3A_557 = arith.constant 1 : i32
    %dma_start3A_558 = arith.constant 0 : i32
    %dma_start3A_559 = arith.constant 0 : i32
    %dma_start3A_560 = tpu.memref_slice %arg5[%dma_start3A_556, %dma_start3A_558, %dma_start3A_559] : memref<3x32x1024xf32, #tpu.memory_space<vmem>> -> memref<1x32x1024xf32, #tpu.memory_space<vmem>>
    %dma_start3A_561 = tpu.memref_squeeze %dma_start3A_560 : memref<1x32x1024xf32, #tpu.memory_space<vmem>> -> memref<32x1024xf32, #tpu.memory_space<vmem>>
    %dma_start3A_562 = arith.constant 0 : i32
    %dma_start3A_563 = tpu.memref_slice %arg4[%add3A_555, %dma_start3A_562] : memref<16384x1024xf32, #tpu.memory_space<hbm>> -> memref<32x1024xf32, #tpu.memory_space<hbm>>
    %dma_start3A_564 = tpu.memref_slice %arg8[%dma_start3A_557] : memref<3x!tpu.dma_semaphore, #tpu.memory_space<semaphore_mem>> -> memref<1x!tpu.dma_semaphore, #tpu.memory_space<semaphore_mem>>
    %dma_start3A_565 = tpu.memref_squeeze %dma_start3A_564 : memref<1x!tpu.dma_semaphore, #tpu.memory_space<semaphore_mem>> -> memref<!tpu.dma_semaphore, #tpu.memory_space<semaphore_mem>>
    %dma_start3A_566 = arith.constant 0 : i32
    %dma_start3A_567 = tpu.memref_slice %arg4[%add3A_555, %dma_start3A_566] : memref<16384x1024xf32, #tpu.memory_space<hbm>> -> memref<32x1024xf32, #tpu.memory_space<hbm>>
    %dma_start3A_568 = arith.constant 0 : i32
    %dma_start3A_569 = arith.constant 0 : i32
    %dma_start3A_570 = tpu.memref_slice %arg5[%dma_start3A_556, %dma_start3A_568, %dma_start3A_569] : memref<3x32x1024xf32, #tpu.memory_space<vmem>> -> memref<1x32x1024xf32, #tpu.memory_space<vmem>>
    %dma_start3A_571 = tpu.memref_squeeze %dma_start3A_570 : memref<1x32x1024xf32, #tpu.memory_space<vmem>> -> memref<32x1024xf32, #tpu.memory_space<vmem>>
    tpu.enqueue_dma source(%dma_start3A_571 : memref<32x1024xf32, #tpu.memory_space<vmem>>) target(%dma_start3A_567 : memref<32x1024xf32, #tpu.memory_space<hbm>>) target_semaphore(%dma_start3A_565 : memref<!tpu.dma_semaphore, #tpu.memory_space<semaphore_mem>>)
    %dma_wait3A_572 = arith.constant 1 : i32
    %dma_wait3A_573 = arith.constant 1 : i32
    %dma_wait3A_574 = arith.constant 0 : i32
    %dma_wait3A_575 = arith.constant 0 : i32
    %dma_wait3A_576 = tpu.memref_slice %arg5[%dma_wait3A_572, %dma_wait3A_574, %dma_wait3A_575] : memref<3x32x1024xf32, #tpu.memory_space<vmem>> -> memref<1x32x1024xf32, #tpu.memory_space<vmem>>
    %dma_wait3A_577 = tpu.memref_squeeze %dma_wait3A_576 : memref<1x32x1024xf32, #tpu.memory_space<vmem>> -> memref<32x1024xf32, #tpu.memory_space<vmem>>
    %dma_wait3A_578 = arith.constant 0 : i32
    %dma_wait3A_579 = tpu.memref_slice %arg4[%add3A_555, %dma_wait3A_578] : memref<16384x1024xf32, #tpu.memory_space<hbm>> -> memref<32x1024xf32, #tpu.memory_space<hbm>>
    %dma_wait3A_580 = tpu.memref_slice %arg8[%dma_wait3A_573] : memref<3x!tpu.dma_semaphore, #tpu.memory_space<semaphore_mem>> -> memref<1x!tpu.dma_semaphore, #tpu.memory_space<semaphore_mem>>
    %dma_wait3A_581 = tpu.memref_squeeze %dma_wait3A_580 : memref<1x!tpu.dma_semaphore, #tpu.memory_space<semaphore_mem>> -> memref<!tpu.dma_semaphore, #tpu.memory_space<semaphore_mem>>
    %dma_wait3A_582 = arith.constant 0 : i32
    %dma_wait3A_583 = tpu.memref_slice %arg4[%add3A_555, %dma_wait3A_582] : memref<16384x1024xf32, #tpu.memory_space<hbm>> -> memref<32x1024xf32, #tpu.memory_space<hbm>>
    %dma_wait3A_584 = arith.constant 0 : i32
    %dma_wait3A_585 = arith.constant 0 : i32
    %dma_wait3A_586 = tpu.memref_slice %arg5[%dma_wait3A_572, %dma_wait3A_584, %dma_wait3A_585] : memref<3x32x1024xf32, #tpu.memory_space<vmem>> -> memref<1x32x1024xf32, #tpu.memory_space<vmem>>
    %dma_wait3A_587 = tpu.memref_squeeze %dma_wait3A_586 : memref<1x32x1024xf32, #tpu.memory_space<vmem>> -> memref<32x1024xf32, #tpu.memory_space<vmem>>
    tpu.wait_dma2 semaphore(%dma_wait3A_581 : memref<!tpu.dma_semaphore, #tpu.memory_space<semaphore_mem>>) src(%dma_wait3A_587 : memref<32x1024xf32, #tpu.memory_space<vmem>>) dst(%dma_wait3A_583 : memref<32x1024xf32, #tpu.memory_space<hbm>>)
    %add3A_588 = arith.constant 320 : i32
    %add3A_589 = arith.addi %mul3A_2, %add3A_588 : i32
    %dma_start3A_590 = arith.constant 1 : i32
    %dma_start3A_591 = arith.constant 1 : i32
    %dma_start3A_592 = arith.constant 0 : i32
    %dma_start3A_593 = arith.constant 0 : i32
    %dma_start3A_594 = tpu.memref_slice %arg5[%dma_start3A_590, %dma_start3A_592, %dma_start3A_593] : memref<3x32x1024xf32, #tpu.memory_space<vmem>> -> memref<1x32x1024xf32, #tpu.memory_space<vmem>>
    %dma_start3A_595 = tpu.memref_squeeze %dma_start3A_594 : memref<1x32x1024xf32, #tpu.memory_space<vmem>> -> memref<32x1024xf32, #tpu.memory_space<vmem>>
    %dma_start3A_596 = arith.constant 0 : i32
    %dma_start3A_597 = tpu.memref_slice %arg2[%add3A_589, %dma_start3A_596] : memref<16384x1024xf32, #tpu.memory_space<hbm>> -> memref<32x1024xf32, #tpu.memory_space<hbm>>
    %dma_start3A_598 = tpu.memref_slice %arg7[%dma_start3A_591] : memref<3x!tpu.dma_semaphore, #tpu.memory_space<semaphore_mem>> -> memref<1x!tpu.dma_semaphore, #tpu.memory_space<semaphore_mem>>
    %dma_start3A_599 = tpu.memref_squeeze %dma_start3A_598 : memref<1x!tpu.dma_semaphore, #tpu.memory_space<semaphore_mem>> -> memref<!tpu.dma_semaphore, #tpu.memory_space<semaphore_mem>>
    %dma_start3A_600 = arith.constant 0 : i32
    %dma_start3A_601 = arith.constant 0 : i32
    %dma_start3A_602 = tpu.memref_slice %arg5[%dma_start3A_590, %dma_start3A_600, %dma_start3A_601] : memref<3x32x1024xf32, #tpu.memory_space<vmem>> -> memref<1x32x1024xf32, #tpu.memory_space<vmem>>
    %dma_start3A_603 = tpu.memref_squeeze %dma_start3A_602 : memref<1x32x1024xf32, #tpu.memory_space<vmem>> -> memref<32x1024xf32, #tpu.memory_space<vmem>>
    %dma_start3A_604 = arith.constant 0 : i32
    %dma_start3A_605 = tpu.memref_slice %arg2[%add3A_589, %dma_start3A_604] : memref<16384x1024xf32, #tpu.memory_space<hbm>> -> memref<32x1024xf32, #tpu.memory_space<hbm>>
    tpu.enqueue_dma source(%dma_start3A_605 : memref<32x1024xf32, #tpu.memory_space<hbm>>) target(%dma_start3A_603 : memref<32x1024xf32, #tpu.memory_space<vmem>>) target_semaphore(%dma_start3A_599 : memref<!tpu.dma_semaphore, #tpu.memory_space<semaphore_mem>>)
    %dma_wait3A_606 = arith.constant 2 : i32
    %dma_wait3A_607 = arith.constant 2 : i32
    %dma_wait3A_608 = arith.constant 0 : i32
    %dma_wait3A_609 = arith.constant 0 : i32
    %dma_wait3A_610 = tpu.memref_slice %arg5[%dma_wait3A_606, %dma_wait3A_608, %dma_wait3A_609] : memref<3x32x1024xf32, #tpu.memory_space<vmem>> -> memref<1x32x1024xf32, #tpu.memory_space<vmem>>
    %dma_wait3A_611 = tpu.memref_squeeze %dma_wait3A_610 : memref<1x32x1024xf32, #tpu.memory_space<vmem>> -> memref<32x1024xf32, #tpu.memory_space<vmem>>
    %dma_wait3A_612 = arith.constant 0 : i32
    %dma_wait3A_613 = tpu.memref_slice %arg2[%add3A_453, %dma_wait3A_612] : memref<16384x1024xf32, #tpu.memory_space<hbm>> -> memref<32x1024xf32, #tpu.memory_space<hbm>>
    %dma_wait3A_614 = tpu.memref_slice %arg7[%dma_wait3A_607] : memref<3x!tpu.dma_semaphore, #tpu.memory_space<semaphore_mem>> -> memref<1x!tpu.dma_semaphore, #tpu.memory_space<semaphore_mem>>
    %dma_wait3A_615 = tpu.memref_squeeze %dma_wait3A_614 : memref<1x!tpu.dma_semaphore, #tpu.memory_space<semaphore_mem>> -> memref<!tpu.dma_semaphore, #tpu.memory_space<semaphore_mem>>
    %dma_wait3A_616 = arith.constant 0 : i32
    %dma_wait3A_617 = arith.constant 0 : i32
    %dma_wait3A_618 = tpu.memref_slice %arg5[%dma_wait3A_606, %dma_wait3A_616, %dma_wait3A_617] : memref<3x32x1024xf32, #tpu.memory_space<vmem>> -> memref<1x32x1024xf32, #tpu.memory_space<vmem>>
    %dma_wait3A_619 = tpu.memref_squeeze %dma_wait3A_618 : memref<1x32x1024xf32, #tpu.memory_space<vmem>> -> memref<32x1024xf32, #tpu.memory_space<vmem>>
    %dma_wait3A_620 = arith.constant 0 : i32
    %dma_wait3A_621 = tpu.memref_slice %arg2[%add3A_453, %dma_wait3A_620] : memref<16384x1024xf32, #tpu.memory_space<hbm>> -> memref<32x1024xf32, #tpu.memory_space<hbm>>
    tpu.wait_dma2 semaphore(%dma_wait3A_615 : memref<!tpu.dma_semaphore, #tpu.memory_space<semaphore_mem>>) src(%dma_wait3A_621 : memref<32x1024xf32, #tpu.memory_space<hbm>>) dst(%dma_wait3A_619 : memref<32x1024xf32, #tpu.memory_space<vmem>>)
    %add3A_622 = arith.constant 256 : i32
    %add3A_623 = arith.addi %mul3A_2, %add3A_622 : i32
    %dma_start3A_624 = arith.constant 2 : i32
    %dma_start3A_625 = arith.constant 2 : i32
    %dma_start3A_626 = arith.constant 0 : i32
    %dma_start3A_627 = arith.constant 0 : i32
    %dma_start3A_628 = tpu.memref_slice %arg5[%dma_start3A_624, %dma_start3A_626, %dma_start3A_627] : memref<3x32x1024xf32, #tpu.memory_space<vmem>> -> memref<1x32x1024xf32, #tpu.memory_space<vmem>>
    %dma_start3A_629 = tpu.memref_squeeze %dma_start3A_628 : memref<1x32x1024xf32, #tpu.memory_space<vmem>> -> memref<32x1024xf32, #tpu.memory_space<vmem>>
    %dma_start3A_630 = arith.constant 0 : i32
    %dma_start3A_631 = tpu.memref_slice %arg4[%add3A_623, %dma_start3A_630] : memref<16384x1024xf32, #tpu.memory_space<hbm>> -> memref<32x1024xf32, #tpu.memory_space<hbm>>
    %dma_start3A_632 = tpu.memref_slice %arg8[%dma_start3A_625] : memref<3x!tpu.dma_semaphore, #tpu.memory_space<semaphore_mem>> -> memref<1x!tpu.dma_semaphore, #tpu.memory_space<semaphore_mem>>
    %dma_start3A_633 = tpu.memref_squeeze %dma_start3A_632 : memref<1x!tpu.dma_semaphore, #tpu.memory_space<semaphore_mem>> -> memref<!tpu.dma_semaphore, #tpu.memory_space<semaphore_mem>>
    %dma_start3A_634 = arith.constant 0 : i32
    %dma_start3A_635 = tpu.memref_slice %arg4[%add3A_623, %dma_start3A_634] : memref<16384x1024xf32, #tpu.memory_space<hbm>> -> memref<32x1024xf32, #tpu.memory_space<hbm>>
    %dma_start3A_636 = arith.constant 0 : i32
    %dma_start3A_637 = arith.constant 0 : i32
    %dma_start3A_638 = tpu.memref_slice %arg5[%dma_start3A_624, %dma_start3A_636, %dma_start3A_637] : memref<3x32x1024xf32, #tpu.memory_space<vmem>> -> memref<1x32x1024xf32, #tpu.memory_space<vmem>>
    %dma_start3A_639 = tpu.memref_squeeze %dma_start3A_638 : memref<1x32x1024xf32, #tpu.memory_space<vmem>> -> memref<32x1024xf32, #tpu.memory_space<vmem>>
    tpu.enqueue_dma source(%dma_start3A_639 : memref<32x1024xf32, #tpu.memory_space<vmem>>) target(%dma_start3A_635 : memref<32x1024xf32, #tpu.memory_space<hbm>>) target_semaphore(%dma_start3A_633 : memref<!tpu.dma_semaphore, #tpu.memory_space<semaphore_mem>>)
    %dma_wait3A_640 = arith.constant 2 : i32
    %dma_wait3A_641 = arith.constant 2 : i32
    %dma_wait3A_642 = arith.constant 0 : i32
    %dma_wait3A_643 = arith.constant 0 : i32
    %dma_wait3A_644 = tpu.memref_slice %arg5[%dma_wait3A_640, %dma_wait3A_642, %dma_wait3A_643] : memref<3x32x1024xf32, #tpu.memory_space<vmem>> -> memref<1x32x1024xf32, #tpu.memory_space<vmem>>
    %dma_wait3A_645 = tpu.memref_squeeze %dma_wait3A_644 : memref<1x32x1024xf32, #tpu.memory_space<vmem>> -> memref<32x1024xf32, #tpu.memory_space<vmem>>
    %dma_wait3A_646 = arith.constant 0 : i32
    %dma_wait3A_647 = tpu.memref_slice %arg4[%add3A_623, %dma_wait3A_646] : memref<16384x1024xf32, #tpu.memory_space<hbm>> -> memref<32x1024xf32, #tpu.memory_space<hbm>>
    %dma_wait3A_648 = tpu.memref_slice %arg8[%dma_wait3A_641] : memref<3x!tpu.dma_semaphore, #tpu.memory_space<semaphore_mem>> -> memref<1x!tpu.dma_semaphore, #tpu.memory_space<semaphore_mem>>
    %dma_wait3A_649 = tpu.memref_squeeze %dma_wait3A_648 : memref<1x!tpu.dma_semaphore, #tpu.memory_space<semaphore_mem>> -> memref<!tpu.dma_semaphore, #tpu.memory_space<semaphore_mem>>
    %dma_wait3A_650 = arith.constant 0 : i32
    %dma_wait3A_651 = tpu.memref_slice %arg4[%add3A_623, %dma_wait3A_650] : memref<16384x1024xf32, #tpu.memory_space<hbm>> -> memref<32x1024xf32, #tpu.memory_space<hbm>>
    %dma_wait3A_652 = arith.constant 0 : i32
    %dma_wait3A_653 = arith.constant 0 : i32
    %dma_wait3A_654 = tpu.memref_slice %arg5[%dma_wait3A_640, %dma_wait3A_652, %dma_wait3A_653] : memref<3x32x1024xf32, #tpu.memory_space<vmem>> -> memref<1x32x1024xf32, #tpu.memory_space<vmem>>
    %dma_wait3A_655 = tpu.memref_squeeze %dma_wait3A_654 : memref<1x32x1024xf32, #tpu.memory_space<vmem>> -> memref<32x1024xf32, #tpu.memory_space<vmem>>
    tpu.wait_dma2 semaphore(%dma_wait3A_649 : memref<!tpu.dma_semaphore, #tpu.memory_space<semaphore_mem>>) src(%dma_wait3A_655 : memref<32x1024xf32, #tpu.memory_space<vmem>>) dst(%dma_wait3A_651 : memref<32x1024xf32, #tpu.memory_space<hbm>>)
    %add3A_656 = arith.constant 352 : i32
    %add3A_657 = arith.addi %mul3A_2, %add3A_656 : i32
    %dma_start3A_658 = arith.constant 2 : i32
    %dma_start3A_659 = arith.constant 2 : i32
    %dma_start3A_660 = arith.constant 0 : i32
    %dma_start3A_661 = arith.constant 0 : i32
    %dma_start3A_662 = tpu.memref_slice %arg5[%dma_start3A_658, %dma_start3A_660, %dma_start3A_661] : memref<3x32x1024xf32, #tpu.memory_space<vmem>> -> memref<1x32x1024xf32, #tpu.memory_space<vmem>>
    %dma_start3A_663 = tpu.memref_squeeze %dma_start3A_662 : memref<1x32x1024xf32, #tpu.memory_space<vmem>> -> memref<32x1024xf32, #tpu.memory_space<vmem>>
    %dma_start3A_664 = arith.constant 0 : i32
    %dma_start3A_665 = tpu.memref_slice %arg2[%add3A_657, %dma_start3A_664] : memref<16384x1024xf32, #tpu.memory_space<hbm>> -> memref<32x1024xf32, #tpu.memory_space<hbm>>
    %dma_start3A_666 = tpu.memref_slice %arg7[%dma_start3A_659] : memref<3x!tpu.dma_semaphore, #tpu.memory_space<semaphore_mem>> -> memref<1x!tpu.dma_semaphore, #tpu.memory_space<semaphore_mem>>
    %dma_start3A_667 = tpu.memref_squeeze %dma_start3A_666 : memref<1x!tpu.dma_semaphore, #tpu.memory_space<semaphore_mem>> -> memref<!tpu.dma_semaphore, #tpu.memory_space<semaphore_mem>>
    %dma_start3A_668 = arith.constant 0 : i32
    %dma_start3A_669 = arith.constant 0 : i32
    %dma_start3A_670 = tpu.memref_slice %arg5[%dma_start3A_658, %dma_start3A_668, %dma_start3A_669] : memref<3x32x1024xf32, #tpu.memory_space<vmem>> -> memref<1x32x1024xf32, #tpu.memory_space<vmem>>
    %dma_start3A_671 = tpu.memref_squeeze %dma_start3A_670 : memref<1x32x1024xf32, #tpu.memory_space<vmem>> -> memref<32x1024xf32, #tpu.memory_space<vmem>>
    %dma_start3A_672 = arith.constant 0 : i32
    %dma_start3A_673 = tpu.memref_slice %arg2[%add3A_657, %dma_start3A_672] : memref<16384x1024xf32, #tpu.memory_space<hbm>> -> memref<32x1024xf32, #tpu.memory_space<hbm>>
    tpu.enqueue_dma source(%dma_start3A_673 : memref<32x1024xf32, #tpu.memory_space<hbm>>) target(%dma_start3A_671 : memref<32x1024xf32, #tpu.memory_space<vmem>>) target_semaphore(%dma_start3A_667 : memref<!tpu.dma_semaphore, #tpu.memory_space<semaphore_mem>>)
    %dma_wait3A_674 = arith.constant 0 : i32
    %dma_wait3A_675 = arith.constant 0 : i32
    %dma_wait3A_676 = arith.constant 0 : i32
    %dma_wait3A_677 = arith.constant 0 : i32
    %dma_wait3A_678 = tpu.memref_slice %arg5[%dma_wait3A_674, %dma_wait3A_676, %dma_wait3A_677] : memref<3x32x1024xf32, #tpu.memory_space<vmem>> -> memref<1x32x1024xf32, #tpu.memory_space<vmem>>
    %dma_wait3A_679 = tpu.memref_squeeze %dma_wait3A_678 : memref<1x32x1024xf32, #tpu.memory_space<vmem>> -> memref<32x1024xf32, #tpu.memory_space<vmem>>
    %dma_wait3A_680 = arith.constant 0 : i32
    %dma_wait3A_681 = tpu.memref_slice %arg2[%add3A_521, %dma_wait3A_680] : memref<16384x1024xf32, #tpu.memory_space<hbm>> -> memref<32x1024xf32, #tpu.memory_space<hbm>>
    %dma_wait3A_682 = tpu.memref_slice %arg7[%dma_wait3A_675] : memref<3x!tpu.dma_semaphore, #tpu.memory_space<semaphore_mem>> -> memref<1x!tpu.dma_semaphore, #tpu.memory_space<semaphore_mem>>
    %dma_wait3A_683 = tpu.memref_squeeze %dma_wait3A_682 : memref<1x!tpu.dma_semaphore, #tpu.memory_space<semaphore_mem>> -> memref<!tpu.dma_semaphore, #tpu.memory_space<semaphore_mem>>
    %dma_wait3A_684 = arith.constant 0 : i32
    %dma_wait3A_685 = arith.constant 0 : i32
    %dma_wait3A_686 = tpu.memref_slice %arg5[%dma_wait3A_674, %dma_wait3A_684, %dma_wait3A_685] : memref<3x32x1024xf32, #tpu.memory_space<vmem>> -> memref<1x32x1024xf32, #tpu.memory_space<vmem>>
    %dma_wait3A_687 = tpu.memref_squeeze %dma_wait3A_686 : memref<1x32x1024xf32, #tpu.memory_space<vmem>> -> memref<32x1024xf32, #tpu.memory_space<vmem>>
    %dma_wait3A_688 = arith.constant 0 : i32
    %dma_wait3A_689 = tpu.memref_slice %arg2[%add3A_521, %dma_wait3A_688] : memref<16384x1024xf32, #tpu.memory_space<hbm>> -> memref<32x1024xf32, #tpu.memory_space<hbm>>
    tpu.wait_dma2 semaphore(%dma_wait3A_683 : memref<!tpu.dma_semaphore, #tpu.memory_space<semaphore_mem>>) src(%dma_wait3A_689 : memref<32x1024xf32, #tpu.memory_space<hbm>>) dst(%dma_wait3A_687 : memref<32x1024xf32, #tpu.memory_space<vmem>>)
    %add3A_690 = arith.constant 288 : i32
    %add3A_691 = arith.addi %mul3A_2, %add3A_690 : i32
    %dma_start3A_692 = arith.constant 0 : i32
    %dma_start3A_693 = arith.constant 0 : i32
    %dma_start3A_694 = arith.constant 0 : i32
    %dma_start3A_695 = arith.constant 0 : i32
    %dma_start3A_696 = tpu.memref_slice %arg5[%dma_start3A_692, %dma_start3A_694, %dma_start3A_695] : memref<3x32x1024xf32, #tpu.memory_space<vmem>> -> memref<1x32x1024xf32, #tpu.memory_space<vmem>>
    %dma_start3A_697 = tpu.memref_squeeze %dma_start3A_696 : memref<1x32x1024xf32, #tpu.memory_space<vmem>> -> memref<32x1024xf32, #tpu.memory_space<vmem>>
    %dma_start3A_698 = arith.constant 0 : i32
    %dma_start3A_699 = tpu.memref_slice %arg4[%add3A_691, %dma_start3A_698] : memref<16384x1024xf32, #tpu.memory_space<hbm>> -> memref<32x1024xf32, #tpu.memory_space<hbm>>
    %dma_start3A_700 = tpu.memref_slice %arg8[%dma_start3A_693] : memref<3x!tpu.dma_semaphore, #tpu.memory_space<semaphore_mem>> -> memref<1x!tpu.dma_semaphore, #tpu.memory_space<semaphore_mem>>
    %dma_start3A_701 = tpu.memref_squeeze %dma_start3A_700 : memref<1x!tpu.dma_semaphore, #tpu.memory_space<semaphore_mem>> -> memref<!tpu.dma_semaphore, #tpu.memory_space<semaphore_mem>>
    %dma_start3A_702 = arith.constant 0 : i32
    %dma_start3A_703 = tpu.memref_slice %arg4[%add3A_691, %dma_start3A_702] : memref<16384x1024xf32, #tpu.memory_space<hbm>> -> memref<32x1024xf32, #tpu.memory_space<hbm>>
    %dma_start3A_704 = arith.constant 0 : i32
    %dma_start3A_705 = arith.constant 0 : i32
    %dma_start3A_706 = tpu.memref_slice %arg5[%dma_start3A_692, %dma_start3A_704, %dma_start3A_705] : memref<3x32x1024xf32, #tpu.memory_space<vmem>> -> memref<1x32x1024xf32, #tpu.memory_space<vmem>>
    %dma_start3A_707 = tpu.memref_squeeze %dma_start3A_706 : memref<1x32x1024xf32, #tpu.memory_space<vmem>> -> memref<32x1024xf32, #tpu.memory_space<vmem>>
    tpu.enqueue_dma source(%dma_start3A_707 : memref<32x1024xf32, #tpu.memory_space<vmem>>) target(%dma_start3A_703 : memref<32x1024xf32, #tpu.memory_space<hbm>>) target_semaphore(%dma_start3A_701 : memref<!tpu.dma_semaphore, #tpu.memory_space<semaphore_mem>>)
    %dma_wait3A_708 = arith.constant 0 : i32
    %dma_wait3A_709 = arith.constant 0 : i32
    %dma_wait3A_710 = arith.constant 0 : i32
    %dma_wait3A_711 = arith.constant 0 : i32
    %dma_wait3A_712 = tpu.memref_slice %arg5[%dma_wait3A_708, %dma_wait3A_710, %dma_wait3A_711] : memref<3x32x1024xf32, #tpu.memory_space<vmem>> -> memref<1x32x1024xf32, #tpu.memory_space<vmem>>
    %dma_wait3A_713 = tpu.memref_squeeze %dma_wait3A_712 : memref<1x32x1024xf32, #tpu.memory_space<vmem>> -> memref<32x1024xf32, #tpu.memory_space<vmem>>
    %dma_wait3A_714 = arith.constant 0 : i32
    %dma_wait3A_715 = tpu.memref_slice %arg4[%add3A_691, %dma_wait3A_714] : memref<16384x1024xf32, #tpu.memory_space<hbm>> -> memref<32x1024xf32, #tpu.memory_space<hbm>>
    %dma_wait3A_716 = tpu.memref_slice %arg8[%dma_wait3A_709] : memref<3x!tpu.dma_semaphore, #tpu.memory_space<semaphore_mem>> -> memref<1x!tpu.dma_semaphore, #tpu.memory_space<semaphore_mem>>
    %dma_wait3A_717 = tpu.memref_squeeze %dma_wait3A_716 : memref<1x!tpu.dma_semaphore, #tpu.memory_space<semaphore_mem>> -> memref<!tpu.dma_semaphore, #tpu.memory_space<semaphore_mem>>
    %dma_wait3A_718 = arith.constant 0 : i32
    %dma_wait3A_719 = tpu.memref_slice %arg4[%add3A_691, %dma_wait3A_718] : memref<16384x1024xf32, #tpu.memory_space<hbm>> -> memref<32x1024xf32, #tpu.memory_space<hbm>>
    %dma_wait3A_720 = arith.constant 0 : i32
    %dma_wait3A_721 = arith.constant 0 : i32
    %dma_wait3A_722 = tpu.memref_slice %arg5[%dma_wait3A_708, %dma_wait3A_720, %dma_wait3A_721] : memref<3x32x1024xf32, #tpu.memory_space<vmem>> -> memref<1x32x1024xf32, #tpu.memory_space<vmem>>
    %dma_wait3A_723 = tpu.memref_squeeze %dma_wait3A_722 : memref<1x32x1024xf32, #tpu.memory_space<vmem>> -> memref<32x1024xf32, #tpu.memory_space<vmem>>
    tpu.wait_dma2 semaphore(%dma_wait3A_717 : memref<!tpu.dma_semaphore, #tpu.memory_space<semaphore_mem>>) src(%dma_wait3A_723 : memref<32x1024xf32, #tpu.memory_space<vmem>>) dst(%dma_wait3A_719 : memref<32x1024xf32, #tpu.memory_space<hbm>>)
    %add3A_724 = arith.constant 384 : i32
    %add3A_725 = arith.addi %mul3A_2, %add3A_724 : i32
    %dma_start3A_726 = arith.constant 0 : i32
    %dma_start3A_727 = arith.constant 0 : i32
    %dma_start3A_728 = arith.constant 0 : i32
    %dma_start3A_729 = arith.constant 0 : i32
    %dma_start3A_730 = tpu.memref_slice %arg5[%dma_start3A_726, %dma_start3A_728, %dma_start3A_729] : memref<3x32x1024xf32, #tpu.memory_space<vmem>> -> memref<1x32x1024xf32, #tpu.memory_space<vmem>>
    %dma_start3A_731 = tpu.memref_squeeze %dma_start3A_730 : memref<1x32x1024xf32, #tpu.memory_space<vmem>> -> memref<32x1024xf32, #tpu.memory_space<vmem>>
    %dma_start3A_732 = arith.constant 0 : i32
    %dma_start3A_733 = tpu.memref_slice %arg2[%add3A_725, %dma_start3A_732] : memref<16384x1024xf32, #tpu.memory_space<hbm>> -> memref<32x1024xf32, #tpu.memory_space<hbm>>
    %dma_start3A_734 = tpu.memref_slice %arg7[%dma_start3A_727] : memref<3x!tpu.dma_semaphore, #tpu.memory_space<semaphore_mem>> -> memref<1x!tpu.dma_semaphore, #tpu.memory_space<semaphore_mem>>
    %dma_start3A_735 = tpu.memref_squeeze %dma_start3A_734 : memref<1x!tpu.dma_semaphore, #tpu.memory_space<semaphore_mem>> -> memref<!tpu.dma_semaphore, #tpu.memory_space<semaphore_mem>>
    %dma_start3A_736 = arith.constant 0 : i32
    %dma_start3A_737 = arith.constant 0 : i32
    %dma_start3A_738 = tpu.memref_slice %arg5[%dma_start3A_726, %dma_start3A_736, %dma_start3A_737] : memref<3x32x1024xf32, #tpu.memory_space<vmem>> -> memref<1x32x1024xf32, #tpu.memory_space<vmem>>
    %dma_start3A_739 = tpu.memref_squeeze %dma_start3A_738 : memref<1x32x1024xf32, #tpu.memory_space<vmem>> -> memref<32x1024xf32, #tpu.memory_space<vmem>>
    %dma_start3A_740 = arith.constant 0 : i32
    %dma_start3A_741 = tpu.memref_slice %arg2[%add3A_725, %dma_start3A_740] : memref<16384x1024xf32, #tpu.memory_space<hbm>> -> memref<32x1024xf32, #tpu.memory_space<hbm>>
    tpu.enqueue_dma source(%dma_start3A_741 : memref<32x1024xf32, #tpu.memory_space<hbm>>) target(%dma_start3A_739 : memref<32x1024xf32, #tpu.memory_space<vmem>>) target_semaphore(%dma_start3A_735 : memref<!tpu.dma_semaphore, #tpu.memory_space<semaphore_mem>>)
    %dma_wait3A_742 = arith.constant 1 : i32
    %dma_wait3A_743 = arith.constant 1 : i32
    %dma_wait3A_744 = arith.constant 0 : i32
    %dma_wait3A_745 = arith.constant 0 : i32
    %dma_wait3A_746 = tpu.memref_slice %arg5[%dma_wait3A_742, %dma_wait3A_744, %dma_wait3A_745] : memref<3x32x1024xf32, #tpu.memory_space<vmem>> -> memref<1x32x1024xf32, #tpu.memory_space<vmem>>
    %dma_wait3A_747 = tpu.memref_squeeze %dma_wait3A_746 : memref<1x32x1024xf32, #tpu.memory_space<vmem>> -> memref<32x1024xf32, #tpu.memory_space<vmem>>
    %dma_wait3A_748 = arith.constant 0 : i32
    %dma_wait3A_749 = tpu.memref_slice %arg2[%add3A_589, %dma_wait3A_748] : memref<16384x1024xf32, #tpu.memory_space<hbm>> -> memref<32x1024xf32, #tpu.memory_space<hbm>>
    %dma_wait3A_750 = tpu.memref_slice %arg7[%dma_wait3A_743] : memref<3x!tpu.dma_semaphore, #tpu.memory_space<semaphore_mem>> -> memref<1x!tpu.dma_semaphore, #tpu.memory_space<semaphore_mem>>
    %dma_wait3A_751 = tpu.memref_squeeze %dma_wait3A_750 : memref<1x!tpu.dma_semaphore, #tpu.memory_space<semaphore_mem>> -> memref<!tpu.dma_semaphore, #tpu.memory_space<semaphore_mem>>
    %dma_wait3A_752 = arith.constant 0 : i32
    %dma_wait3A_753 = arith.constant 0 : i32
    %dma_wait3A_754 = tpu.memref_slice %arg5[%dma_wait3A_742, %dma_wait3A_752, %dma_wait3A_753] : memref<3x32x1024xf32, #tpu.memory_space<vmem>> -> memref<1x32x1024xf32, #tpu.memory_space<vmem>>
    %dma_wait3A_755 = tpu.memref_squeeze %dma_wait3A_754 : memref<1x32x1024xf32, #tpu.memory_space<vmem>> -> memref<32x1024xf32, #tpu.memory_space<vmem>>
    %dma_wait3A_756 = arith.constant 0 : i32
    %dma_wait3A_757 = tpu.memref_slice %arg2[%add3A_589, %dma_wait3A_756] : memref<16384x1024xf32, #tpu.memory_space<hbm>> -> memref<32x1024xf32, #tpu.memory_space<hbm>>
    tpu.wait_dma2 semaphore(%dma_wait3A_751 : memref<!tpu.dma_semaphore, #tpu.memory_space<semaphore_mem>>) src(%dma_wait3A_757 : memref<32x1024xf32, #tpu.memory_space<hbm>>) dst(%dma_wait3A_755 : memref<32x1024xf32, #tpu.memory_space<vmem>>)
    %add3A_758 = arith.constant 320 : i32
    %add3A_759 = arith.addi %mul3A_2, %add3A_758 : i32
    %dma_start3A_760 = arith.constant 1 : i32
    %dma_start3A_761 = arith.constant 1 : i32
    %dma_start3A_762 = arith.constant 0 : i32
    %dma_start3A_763 = arith.constant 0 : i32
    %dma_start3A_764 = tpu.memref_slice %arg5[%dma_start3A_760, %dma_start3A_762, %dma_start3A_763] : memref<3x32x1024xf32, #tpu.memory_space<vmem>> -> memref<1x32x1024xf32, #tpu.memory_space<vmem>>
    %dma_start3A_765 = tpu.memref_squeeze %dma_start3A_764 : memref<1x32x1024xf32, #tpu.memory_space<vmem>> -> memref<32x1024xf32, #tpu.memory_space<vmem>>
    %dma_start3A_766 = arith.constant 0 : i32
    %dma_start3A_767 = tpu.memref_slice %arg4[%add3A_759, %dma_start3A_766] : memref<16384x1024xf32, #tpu.memory_space<hbm>> -> memref<32x1024xf32, #tpu.memory_space<hbm>>
    %dma_start3A_768 = tpu.memref_slice %arg8[%dma_start3A_761] : memref<3x!tpu.dma_semaphore, #tpu.memory_space<semaphore_mem>> -> memref<1x!tpu.dma_semaphore, #tpu.memory_space<semaphore_mem>>
    %dma_start3A_769 = tpu.memref_squeeze %dma_start3A_768 : memref<1x!tpu.dma_semaphore, #tpu.memory_space<semaphore_mem>> -> memref<!tpu.dma_semaphore, #tpu.memory_space<semaphore_mem>>
    %dma_start3A_770 = arith.constant 0 : i32
    %dma_start3A_771 = tpu.memref_slice %arg4[%add3A_759, %dma_start3A_770] : memref<16384x1024xf32, #tpu.memory_space<hbm>> -> memref<32x1024xf32, #tpu.memory_space<hbm>>
    %dma_start3A_772 = arith.constant 0 : i32
    %dma_start3A_773 = arith.constant 0 : i32
    %dma_start3A_774 = tpu.memref_slice %arg5[%dma_start3A_760, %dma_start3A_772, %dma_start3A_773] : memref<3x32x1024xf32, #tpu.memory_space<vmem>> -> memref<1x32x1024xf32, #tpu.memory_space<vmem>>
    %dma_start3A_775 = tpu.memref_squeeze %dma_start3A_774 : memref<1x32x1024xf32, #tpu.memory_space<vmem>> -> memref<32x1024xf32, #tpu.memory_space<vmem>>
    tpu.enqueue_dma source(%dma_start3A_775 : memref<32x1024xf32, #tpu.memory_space<vmem>>) target(%dma_start3A_771 : memref<32x1024xf32, #tpu.memory_space<hbm>>) target_semaphore(%dma_start3A_769 : memref<!tpu.dma_semaphore, #tpu.memory_space<semaphore_mem>>)
    %dma_wait3A_776 = arith.constant 1 : i32
    %dma_wait3A_777 = arith.constant 1 : i32
    %dma_wait3A_778 = arith.constant 0 : i32
    %dma_wait3A_779 = arith.constant 0 : i32
    %dma_wait3A_780 = tpu.memref_slice %arg5[%dma_wait3A_776, %dma_wait3A_778, %dma_wait3A_779] : memref<3x32x1024xf32, #tpu.memory_space<vmem>> -> memref<1x32x1024xf32, #tpu.memory_space<vmem>>
    %dma_wait3A_781 = tpu.memref_squeeze %dma_wait3A_780 : memref<1x32x1024xf32, #tpu.memory_space<vmem>> -> memref<32x1024xf32, #tpu.memory_space<vmem>>
    %dma_wait3A_782 = arith.constant 0 : i32
    %dma_wait3A_783 = tpu.memref_slice %arg4[%add3A_759, %dma_wait3A_782] : memref<16384x1024xf32, #tpu.memory_space<hbm>> -> memref<32x1024xf32, #tpu.memory_space<hbm>>
    %dma_wait3A_784 = tpu.memref_slice %arg8[%dma_wait3A_777] : memref<3x!tpu.dma_semaphore, #tpu.memory_space<semaphore_mem>> -> memref<1x!tpu.dma_semaphore, #tpu.memory_space<semaphore_mem>>
    %dma_wait3A_785 = tpu.memref_squeeze %dma_wait3A_784 : memref<1x!tpu.dma_semaphore, #tpu.memory_space<semaphore_mem>> -> memref<!tpu.dma_semaphore, #tpu.memory_space<semaphore_mem>>
    %dma_wait3A_786 = arith.constant 0 : i32
    %dma_wait3A_787 = tpu.memref_slice %arg4[%add3A_759, %dma_wait3A_786] : memref<16384x1024xf32, #tpu.memory_space<hbm>> -> memref<32x1024xf32, #tpu.memory_space<hbm>>
    %dma_wait3A_788 = arith.constant 0 : i32
    %dma_wait3A_789 = arith.constant 0 : i32
    %dma_wait3A_790 = tpu.memref_slice %arg5[%dma_wait3A_776, %dma_wait3A_788, %dma_wait3A_789] : memref<3x32x1024xf32, #tpu.memory_space<vmem>> -> memref<1x32x1024xf32, #tpu.memory_space<vmem>>
    %dma_wait3A_791 = tpu.memref_squeeze %dma_wait3A_790 : memref<1x32x1024xf32, #tpu.memory_space<vmem>> -> memref<32x1024xf32, #tpu.memory_space<vmem>>
    tpu.wait_dma2 semaphore(%dma_wait3A_785 : memref<!tpu.dma_semaphore, #tpu.memory_space<semaphore_mem>>) src(%dma_wait3A_791 : memref<32x1024xf32, #tpu.memory_space<vmem>>) dst(%dma_wait3A_787 : memref<32x1024xf32, #tpu.memory_space<hbm>>)
    %add3A_792 = arith.constant 416 : i32
    %add3A_793 = arith.addi %mul3A_2, %add3A_792 : i32
    %dma_start3A_794 = arith.constant 1 : i32
    %dma_start3A_795 = arith.constant 1 : i32
    %dma_start3A_796 = arith.constant 0 : i32
    %dma_start3A_797 = arith.constant 0 : i32
    %dma_start3A_798 = tpu.memref_slice %arg5[%dma_start3A_794, %dma_start3A_796, %dma_start3A_797] : memref<3x32x1024xf32, #tpu.memory_space<vmem>> -> memref<1x32x1024xf32, #tpu.memory_space<vmem>>
    %dma_start3A_799 = tpu.memref_squeeze %dma_start3A_798 : memref<1x32x1024xf32, #tpu.memory_space<vmem>> -> memref<32x1024xf32, #tpu.memory_space<vmem>>
    %dma_start3A_800 = arith.constant 0 : i32
    %dma_start3A_801 = tpu.memref_slice %arg2[%add3A_793, %dma_start3A_800] : memref<16384x1024xf32, #tpu.memory_space<hbm>> -> memref<32x1024xf32, #tpu.memory_space<hbm>>
    %dma_start3A_802 = tpu.memref_slice %arg7[%dma_start3A_795] : memref<3x!tpu.dma_semaphore, #tpu.memory_space<semaphore_mem>> -> memref<1x!tpu.dma_semaphore, #tpu.memory_space<semaphore_mem>>
    %dma_start3A_803 = tpu.memref_squeeze %dma_start3A_802 : memref<1x!tpu.dma_semaphore, #tpu.memory_space<semaphore_mem>> -> memref<!tpu.dma_semaphore, #tpu.memory_space<semaphore_mem>>
    %dma_start3A_804 = arith.constant 0 : i32
    %dma_start3A_805 = arith.constant 0 : i32
    %dma_start3A_806 = tpu.memref_slice %arg5[%dma_start3A_794, %dma_start3A_804, %dma_start3A_805] : memref<3x32x1024xf32, #tpu.memory_space<vmem>> -> memref<1x32x1024xf32, #tpu.memory_space<vmem>>
    %dma_start3A_807 = tpu.memref_squeeze %dma_start3A_806 : memref<1x32x1024xf32, #tpu.memory_space<vmem>> -> memref<32x1024xf32, #tpu.memory_space<vmem>>
    %dma_start3A_808 = arith.constant 0 : i32
    %dma_start3A_809 = tpu.memref_slice %arg2[%add3A_793, %dma_start3A_808] : memref<16384x1024xf32, #tpu.memory_space<hbm>> -> memref<32x1024xf32, #tpu.memory_space<hbm>>
    tpu.enqueue_dma source(%dma_start3A_809 : memref<32x1024xf32, #tpu.memory_space<hbm>>) target(%dma_start3A_807 : memref<32x1024xf32, #tpu.memory_space<vmem>>) target_semaphore(%dma_start3A_803 : memref<!tpu.dma_semaphore, #tpu.memory_space<semaphore_mem>>)
    %dma_wait3A_810 = arith.constant 2 : i32
    %dma_wait3A_811 = arith.constant 2 : i32
    %dma_wait3A_812 = arith.constant 0 : i32
    %dma_wait3A_813 = arith.constant 0 : i32
    %dma_wait3A_814 = tpu.memref_slice %arg5[%dma_wait3A_810, %dma_wait3A_812, %dma_wait3A_813] : memref<3x32x1024xf32, #tpu.memory_space<vmem>> -> memref<1x32x1024xf32, #tpu.memory_space<vmem>>
    %dma_wait3A_815 = tpu.memref_squeeze %dma_wait3A_814 : memref<1x32x1024xf32, #tpu.memory_space<vmem>> -> memref<32x1024xf32, #tpu.memory_space<vmem>>
    %dma_wait3A_816 = arith.constant 0 : i32
    %dma_wait3A_817 = tpu.memref_slice %arg2[%add3A_657, %dma_wait3A_816] : memref<16384x1024xf32, #tpu.memory_space<hbm>> -> memref<32x1024xf32, #tpu.memory_space<hbm>>
    %dma_wait3A_818 = tpu.memref_slice %arg7[%dma_wait3A_811] : memref<3x!tpu.dma_semaphore, #tpu.memory_space<semaphore_mem>> -> memref<1x!tpu.dma_semaphore, #tpu.memory_space<semaphore_mem>>
    %dma_wait3A_819 = tpu.memref_squeeze %dma_wait3A_818 : memref<1x!tpu.dma_semaphore, #tpu.memory_space<semaphore_mem>> -> memref<!tpu.dma_semaphore, #tpu.memory_space<semaphore_mem>>
    %dma_wait3A_820 = arith.constant 0 : i32
    %dma_wait3A_821 = arith.constant 0 : i32
    %dma_wait3A_822 = tpu.memref_slice %arg5[%dma_wait3A_810, %dma_wait3A_820, %dma_wait3A_821] : memref<3x32x1024xf32, #tpu.memory_space<vmem>> -> memref<1x32x1024xf32, #tpu.memory_space<vmem>>
    %dma_wait3A_823 = tpu.memref_squeeze %dma_wait3A_822 : memref<1x32x1024xf32, #tpu.memory_space<vmem>> -> memref<32x1024xf32, #tpu.memory_space<vmem>>
    %dma_wait3A_824 = arith.constant 0 : i32
    %dma_wait3A_825 = tpu.memref_slice %arg2[%add3A_657, %dma_wait3A_824] : memref<16384x1024xf32, #tpu.memory_space<hbm>> -> memref<32x1024xf32, #tpu.memory_space<hbm>>
    tpu.wait_dma2 semaphore(%dma_wait3A_819 : memref<!tpu.dma_semaphore, #tpu.memory_space<semaphore_mem>>) src(%dma_wait3A_825 : memref<32x1024xf32, #tpu.memory_space<hbm>>) dst(%dma_wait3A_823 : memref<32x1024xf32, #tpu.memory_space<vmem>>)
    %add3A_826 = arith.constant 352 : i32
    %add3A_827 = arith.addi %mul3A_2, %add3A_826 : i32
    %dma_start3A_828 = arith.constant 2 : i32
    %dma_start3A_829 = arith.constant 2 : i32
    %dma_start3A_830 = arith.constant 0 : i32
    %dma_start3A_831 = arith.constant 0 : i32
    %dma_start3A_832 = tpu.memref_slice %arg5[%dma_start3A_828, %dma_start3A_830, %dma_start3A_831] : memref<3x32x1024xf32, #tpu.memory_space<vmem>> -> memref<1x32x1024xf32, #tpu.memory_space<vmem>>
    %dma_start3A_833 = tpu.memref_squeeze %dma_start3A_832 : memref<1x32x1024xf32, #tpu.memory_space<vmem>> -> memref<32x1024xf32, #tpu.memory_space<vmem>>
    %dma_start3A_834 = arith.constant 0 : i32
    %dma_start3A_835 = tpu.memref_slice %arg4[%add3A_827, %dma_start3A_834] : memref<16384x1024xf32, #tpu.memory_space<hbm>> -> memref<32x1024xf32, #tpu.memory_space<hbm>>
    %dma_start3A_836 = tpu.memref_slice %arg8[%dma_start3A_829] : memref<3x!tpu.dma_semaphore, #tpu.memory_space<semaphore_mem>> -> memref<1x!tpu.dma_semaphore, #tpu.memory_space<semaphore_mem>>
    %dma_start3A_837 = tpu.memref_squeeze %dma_start3A_836 : memref<1x!tpu.dma_semaphore, #tpu.memory_space<semaphore_mem>> -> memref<!tpu.dma_semaphore, #tpu.memory_space<semaphore_mem>>
    %dma_start3A_838 = arith.constant 0 : i32
    %dma_start3A_839 = tpu.memref_slice %arg4[%add3A_827, %dma_start3A_838] : memref<16384x1024xf32, #tpu.memory_space<hbm>> -> memref<32x1024xf32, #tpu.memory_space<hbm>>
    %dma_start3A_840 = arith.constant 0 : i32
    %dma_start3A_841 = arith.constant 0 : i32
    %dma_start3A_842 = tpu.memref_slice %arg5[%dma_start3A_828, %dma_start3A_840, %dma_start3A_841] : memref<3x32x1024xf32, #tpu.memory_space<vmem>> -> memref<1x32x1024xf32, #tpu.memory_space<vmem>>
    %dma_start3A_843 = tpu.memref_squeeze %dma_start3A_842 : memref<1x32x1024xf32, #tpu.memory_space<vmem>> -> memref<32x1024xf32, #tpu.memory_space<vmem>>
    tpu.enqueue_dma source(%dma_start3A_843 : memref<32x1024xf32, #tpu.memory_space<vmem>>) target(%dma_start3A_839 : memref<32x1024xf32, #tpu.memory_space<hbm>>) target_semaphore(%dma_start3A_837 : memref<!tpu.dma_semaphore, #tpu.memory_space<semaphore_mem>>)
    %dma_wait3A_844 = arith.constant 2 : i32
    %dma_wait3A_845 = arith.constant 2 : i32
    %dma_wait3A_846 = arith.constant 0 : i32
    %dma_wait3A_847 = arith.constant 0 : i32
    %dma_wait3A_848 = tpu.memref_slice %arg5[%dma_wait3A_844, %dma_wait3A_846, %dma_wait3A_847] : memref<3x32x1024xf32, #tpu.memory_space<vmem>> -> memref<1x32x1024xf32, #tpu.memory_space<vmem>>
    %dma_wait3A_849 = tpu.memref_squeeze %dma_wait3A_848 : memref<1x32x1024xf32, #tpu.memory_space<vmem>> -> memref<32x1024xf32, #tpu.memory_space<vmem>>
    %dma_wait3A_850 = arith.constant 0 : i32
    %dma_wait3A_851 = tpu.memref_slice %arg4[%add3A_827, %dma_wait3A_850] : memref<16384x1024xf32, #tpu.memory_space<hbm>> -> memref<32x1024xf32, #tpu.memory_space<hbm>>
    %dma_wait3A_852 = tpu.memref_slice %arg8[%dma_wait3A_845] : memref<3x!tpu.dma_semaphore, #tpu.memory_space<semaphore_mem>> -> memref<1x!tpu.dma_semaphore, #tpu.memory_space<semaphore_mem>>
    %dma_wait3A_853 = tpu.memref_squeeze %dma_wait3A_852 : memref<1x!tpu.dma_semaphore, #tpu.memory_space<semaphore_mem>> -> memref<!tpu.dma_semaphore, #tpu.memory_space<semaphore_mem>>
    %dma_wait3A_854 = arith.constant 0 : i32
    %dma_wait3A_855 = tpu.memref_slice %arg4[%add3A_827, %dma_wait3A_854] : memref<16384x1024xf32, #tpu.memory_space<hbm>> -> memref<32x1024xf32, #tpu.memory_space<hbm>>
    %dma_wait3A_856 = arith.constant 0 : i32
    %dma_wait3A_857 = arith.constant 0 : i32
    %dma_wait3A_858 = tpu.memref_slice %arg5[%dma_wait3A_844, %dma_wait3A_856, %dma_wait3A_857] : memref<3x32x1024xf32, #tpu.memory_space<vmem>> -> memref<1x32x1024xf32, #tpu.memory_space<vmem>>
    %dma_wait3A_859 = tpu.memref_squeeze %dma_wait3A_858 : memref<1x32x1024xf32, #tpu.memory_space<vmem>> -> memref<32x1024xf32, #tpu.memory_space<vmem>>
    tpu.wait_dma2 semaphore(%dma_wait3A_853 : memref<!tpu.dma_semaphore, #tpu.memory_space<semaphore_mem>>) src(%dma_wait3A_859 : memref<32x1024xf32, #tpu.memory_space<vmem>>) dst(%dma_wait3A_855 : memref<32x1024xf32, #tpu.memory_space<hbm>>)
    %add3A_860 = arith.constant 448 : i32
    %add3A_861 = arith.addi %mul3A_2, %add3A_860 : i32
    %dma_start3A_862 = arith.constant 2 : i32
    %dma_start3A_863 = arith.constant 2 : i32
    %dma_start3A_864 = arith.constant 0 : i32
    %dma_start3A_865 = arith.constant 0 : i32
    %dma_start3A_866 = tpu.memref_slice %arg5[%dma_start3A_862, %dma_start3A_864, %dma_start3A_865] : memref<3x32x1024xf32, #tpu.memory_space<vmem>> -> memref<1x32x1024xf32, #tpu.memory_space<vmem>>
    %dma_start3A_867 = tpu.memref_squeeze %dma_start3A_866 : memref<1x32x1024xf32, #tpu.memory_space<vmem>> -> memref<32x1024xf32, #tpu.memory_space<vmem>>
    %dma_start3A_868 = arith.constant 0 : i32
    %dma_start3A_869 = tpu.memref_slice %arg2[%add3A_861, %dma_start3A_868] : memref<16384x1024xf32, #tpu.memory_space<hbm>> -> memref<32x1024xf32, #tpu.memory_space<hbm>>
    %dma_start3A_870 = tpu.memref_slice %arg7[%dma_start3A_863] : memref<3x!tpu.dma_semaphore, #tpu.memory_space<semaphore_mem>> -> memref<1x!tpu.dma_semaphore, #tpu.memory_space<semaphore_mem>>
    %dma_start3A_871 = tpu.memref_squeeze %dma_start3A_870 : memref<1x!tpu.dma_semaphore, #tpu.memory_space<semaphore_mem>> -> memref<!tpu.dma_semaphore, #tpu.memory_space<semaphore_mem>>
    %dma_start3A_872 = arith.constant 0 : i32
    %dma_start3A_873 = arith.constant 0 : i32
    %dma_start3A_874 = tpu.memref_slice %arg5[%dma_start3A_862, %dma_start3A_872, %dma_start3A_873] : memref<3x32x1024xf32, #tpu.memory_space<vmem>> -> memref<1x32x1024xf32, #tpu.memory_space<vmem>>
    %dma_start3A_875 = tpu.memref_squeeze %dma_start3A_874 : memref<1x32x1024xf32, #tpu.memory_space<vmem>> -> memref<32x1024xf32, #tpu.memory_space<vmem>>
    %dma_start3A_876 = arith.constant 0 : i32
    %dma_start3A_877 = tpu.memref_slice %arg2[%add3A_861, %dma_start3A_876] : memref<16384x1024xf32, #tpu.memory_space<hbm>> -> memref<32x1024xf32, #tpu.memory_space<hbm>>
    tpu.enqueue_dma source(%dma_start3A_877 : memref<32x1024xf32, #tpu.memory_space<hbm>>) target(%dma_start3A_875 : memref<32x1024xf32, #tpu.memory_space<vmem>>) target_semaphore(%dma_start3A_871 : memref<!tpu.dma_semaphore, #tpu.memory_space<semaphore_mem>>)
    %dma_wait3A_878 = arith.constant 0 : i32
    %dma_wait3A_879 = arith.constant 0 : i32
    %dma_wait3A_880 = arith.constant 0 : i32
    %dma_wait3A_881 = arith.constant 0 : i32
    %dma_wait3A_882 = tpu.memref_slice %arg5[%dma_wait3A_878, %dma_wait3A_880, %dma_wait3A_881] : memref<3x32x1024xf32, #tpu.memory_space<vmem>> -> memref<1x32x1024xf32, #tpu.memory_space<vmem>>
    %dma_wait3A_883 = tpu.memref_squeeze %dma_wait3A_882 : memref<1x32x1024xf32, #tpu.memory_space<vmem>> -> memref<32x1024xf32, #tpu.memory_space<vmem>>
    %dma_wait3A_884 = arith.constant 0 : i32
    %dma_wait3A_885 = tpu.memref_slice %arg2[%add3A_725, %dma_wait3A_884] : memref<16384x1024xf32, #tpu.memory_space<hbm>> -> memref<32x1024xf32, #tpu.memory_space<hbm>>
    %dma_wait3A_886 = tpu.memref_slice %arg7[%dma_wait3A_879] : memref<3x!tpu.dma_semaphore, #tpu.memory_space<semaphore_mem>> -> memref<1x!tpu.dma_semaphore, #tpu.memory_space<semaphore_mem>>
    %dma_wait3A_887 = tpu.memref_squeeze %dma_wait3A_886 : memref<1x!tpu.dma_semaphore, #tpu.memory_space<semaphore_mem>> -> memref<!tpu.dma_semaphore, #tpu.memory_space<semaphore_mem>>
    %dma_wait3A_888 = arith.constant 0 : i32
    %dma_wait3A_889 = arith.constant 0 : i32
    %dma_wait3A_890 = tpu.memref_slice %arg5[%dma_wait3A_878, %dma_wait3A_888, %dma_wait3A_889] : memref<3x32x1024xf32, #tpu.memory_space<vmem>> -> memref<1x32x1024xf32, #tpu.memory_space<vmem>>
    %dma_wait3A_891 = tpu.memref_squeeze %dma_wait3A_890 : memref<1x32x1024xf32, #tpu.memory_space<vmem>> -> memref<32x1024xf32, #tpu.memory_space<vmem>>
    %dma_wait3A_892 = arith.constant 0 : i32
    %dma_wait3A_893 = tpu.memref_slice %arg2[%add3A_725, %dma_wait3A_892] : memref<16384x1024xf32, #tpu.memory_space<hbm>> -> memref<32x1024xf32, #tpu.memory_space<hbm>>
    tpu.wait_dma2 semaphore(%dma_wait3A_887 : memref<!tpu.dma_semaphore, #tpu.memory_space<semaphore_mem>>) src(%dma_wait3A_893 : memref<32x1024xf32, #tpu.memory_space<hbm>>) dst(%dma_wait3A_891 : memref<32x1024xf32, #tpu.memory_space<vmem>>)
    %add3A_894 = arith.constant 384 : i32
    %add3A_895 = arith.addi %mul3A_2, %add3A_894 : i32
    %dma_start3A_896 = arith.constant 0 : i32
    %dma_start3A_897 = arith.constant 0 : i32
    %dma_start3A_898 = arith.constant 0 : i32
    %dma_start3A_899 = arith.constant 0 : i32
    %dma_start3A_900 = tpu.memref_slice %arg5[%dma_start3A_896, %dma_start3A_898, %dma_start3A_899] : memref<3x32x1024xf32, #tpu.memory_space<vmem>> -> memref<1x32x1024xf32, #tpu.memory_space<vmem>>
    %dma_start3A_901 = tpu.memref_squeeze %dma_start3A_900 : memref<1x32x1024xf32, #tpu.memory_space<vmem>> -> memref<32x1024xf32, #tpu.memory_space<vmem>>
    %dma_start3A_902 = arith.constant 0 : i32
    %dma_start3A_903 = tpu.memref_slice %arg4[%add3A_895, %dma_start3A_902] : memref<16384x1024xf32, #tpu.memory_space<hbm>> -> memref<32x1024xf32, #tpu.memory_space<hbm>>
    %dma_start3A_904 = tpu.memref_slice %arg8[%dma_start3A_897] : memref<3x!tpu.dma_semaphore, #tpu.memory_space<semaphore_mem>> -> memref<1x!tpu.dma_semaphore, #tpu.memory_space<semaphore_mem>>
    %dma_start3A_905 = tpu.memref_squeeze %dma_start3A_904 : memref<1x!tpu.dma_semaphore, #tpu.memory_space<semaphore_mem>> -> memref<!tpu.dma_semaphore, #tpu.memory_space<semaphore_mem>>
    %dma_start3A_906 = arith.constant 0 : i32
    %dma_start3A_907 = tpu.memref_slice %arg4[%add3A_895, %dma_start3A_906] : memref<16384x1024xf32, #tpu.memory_space<hbm>> -> memref<32x1024xf32, #tpu.memory_space<hbm>>
    %dma_start3A_908 = arith.constant 0 : i32
    %dma_start3A_909 = arith.constant 0 : i32
    %dma_start3A_910 = tpu.memref_slice %arg5[%dma_start3A_896, %dma_start3A_908, %dma_start3A_909] : memref<3x32x1024xf32, #tpu.memory_space<vmem>> -> memref<1x32x1024xf32, #tpu.memory_space<vmem>>
    %dma_start3A_911 = tpu.memref_squeeze %dma_start3A_910 : memref<1x32x1024xf32, #tpu.memory_space<vmem>> -> memref<32x1024xf32, #tpu.memory_space<vmem>>
    tpu.enqueue_dma source(%dma_start3A_911 : memref<32x1024xf32, #tpu.memory_space<vmem>>) target(%dma_start3A_907 : memref<32x1024xf32, #tpu.memory_space<hbm>>) target_semaphore(%dma_start3A_905 : memref<!tpu.dma_semaphore, #tpu.memory_space<semaphore_mem>>)
    %dma_wait3A_912 = arith.constant 0 : i32
    %dma_wait3A_913 = arith.constant 0 : i32
    %dma_wait3A_914 = arith.constant 0 : i32
    %dma_wait3A_915 = arith.constant 0 : i32
    %dma_wait3A_916 = tpu.memref_slice %arg5[%dma_wait3A_912, %dma_wait3A_914, %dma_wait3A_915] : memref<3x32x1024xf32, #tpu.memory_space<vmem>> -> memref<1x32x1024xf32, #tpu.memory_space<vmem>>
    %dma_wait3A_917 = tpu.memref_squeeze %dma_wait3A_916 : memref<1x32x1024xf32, #tpu.memory_space<vmem>> -> memref<32x1024xf32, #tpu.memory_space<vmem>>
    %dma_wait3A_918 = arith.constant 0 : i32
    %dma_wait3A_919 = tpu.memref_slice %arg4[%add3A_895, %dma_wait3A_918] : memref<16384x1024xf32, #tpu.memory_space<hbm>> -> memref<32x1024xf32, #tpu.memory_space<hbm>>
    %dma_wait3A_920 = tpu.memref_slice %arg8[%dma_wait3A_913] : memref<3x!tpu.dma_semaphore, #tpu.memory_space<semaphore_mem>> -> memref<1x!tpu.dma_semaphore, #tpu.memory_space<semaphore_mem>>
    %dma_wait3A_921 = tpu.memref_squeeze %dma_wait3A_920 : memref<1x!tpu.dma_semaphore, #tpu.memory_space<semaphore_mem>> -> memref<!tpu.dma_semaphore, #tpu.memory_space<semaphore_mem>>
    %dma_wait3A_922 = arith.constant 0 : i32
    %dma_wait3A_923 = tpu.memref_slice %arg4[%add3A_895, %dma_wait3A_922] : memref<16384x1024xf32, #tpu.memory_space<hbm>> -> memref<32x1024xf32, #tpu.memory_space<hbm>>
    %dma_wait3A_924 = arith.constant 0 : i32
    %dma_wait3A_925 = arith.constant 0 : i32
    %dma_wait3A_926 = tpu.memref_slice %arg5[%dma_wait3A_912, %dma_wait3A_924, %dma_wait3A_925] : memref<3x32x1024xf32, #tpu.memory_space<vmem>> -> memref<1x32x1024xf32, #tpu.memory_space<vmem>>
    %dma_wait3A_927 = tpu.memref_squeeze %dma_wait3A_926 : memref<1x32x1024xf32, #tpu.memory_space<vmem>> -> memref<32x1024xf32, #tpu.memory_space<vmem>>
    tpu.wait_dma2 semaphore(%dma_wait3A_921 : memref<!tpu.dma_semaphore, #tpu.memory_space<semaphore_mem>>) src(%dma_wait3A_927 : memref<32x1024xf32, #tpu.memory_space<vmem>>) dst(%dma_wait3A_923 : memref<32x1024xf32, #tpu.memory_space<hbm>>)
    %add3A_928 = arith.constant 480 : i32
    %add3A_929 = arith.addi %mul3A_2, %add3A_928 : i32
    %dma_start3A_930 = arith.constant 0 : i32
    %dma_start3A_931 = arith.constant 0 : i32
    %dma_start3A_932 = arith.constant 0 : i32
    %dma_start3A_933 = arith.constant 0 : i32
    %dma_start3A_934 = tpu.memref_slice %arg5[%dma_start3A_930, %dma_start3A_932, %dma_start3A_933] : memref<3x32x1024xf32, #tpu.memory_space<vmem>> -> memref<1x32x1024xf32, #tpu.memory_space<vmem>>
    %dma_start3A_935 = tpu.memref_squeeze %dma_start3A_934 : memref<1x32x1024xf32, #tpu.memory_space<vmem>> -> memref<32x1024xf32, #tpu.memory_space<vmem>>
    %dma_start3A_936 = arith.constant 0 : i32
    %dma_start3A_937 = tpu.memref_slice %arg2[%add3A_929, %dma_start3A_936] : memref<16384x1024xf32, #tpu.memory_space<hbm>> -> memref<32x1024xf32, #tpu.memory_space<hbm>>
    %dma_start3A_938 = tpu.memref_slice %arg7[%dma_start3A_931] : memref<3x!tpu.dma_semaphore, #tpu.memory_space<semaphore_mem>> -> memref<1x!tpu.dma_semaphore, #tpu.memory_space<semaphore_mem>>
    %dma_start3A_939 = tpu.memref_squeeze %dma_start3A_938 : memref<1x!tpu.dma_semaphore, #tpu.memory_space<semaphore_mem>> -> memref<!tpu.dma_semaphore, #tpu.memory_space<semaphore_mem>>
    %dma_start3A_940 = arith.constant 0 : i32
    %dma_start3A_941 = arith.constant 0 : i32
    %dma_start3A_942 = tpu.memref_slice %arg5[%dma_start3A_930, %dma_start3A_940, %dma_start3A_941] : memref<3x32x1024xf32, #tpu.memory_space<vmem>> -> memref<1x32x1024xf32, #tpu.memory_space<vmem>>
    %dma_start3A_943 = tpu.memref_squeeze %dma_start3A_942 : memref<1x32x1024xf32, #tpu.memory_space<vmem>> -> memref<32x1024xf32, #tpu.memory_space<vmem>>
    %dma_start3A_944 = arith.constant 0 : i32
    %dma_start3A_945 = tpu.memref_slice %arg2[%add3A_929, %dma_start3A_944] : memref<16384x1024xf32, #tpu.memory_space<hbm>> -> memref<32x1024xf32, #tpu.memory_space<hbm>>
    tpu.enqueue_dma source(%dma_start3A_945 : memref<32x1024xf32, #tpu.memory_space<hbm>>) target(%dma_start3A_943 : memref<32x1024xf32, #tpu.memory_space<vmem>>) target_semaphore(%dma_start3A_939 : memref<!tpu.dma_semaphore, #tpu.memory_space<semaphore_mem>>)
    %dma_wait3A_946 = arith.constant 1 : i32
    %dma_wait3A_947 = arith.constant 1 : i32
    %dma_wait3A_948 = arith.constant 0 : i32
    %dma_wait3A_949 = arith.constant 0 : i32
    %dma_wait3A_950 = tpu.memref_slice %arg5[%dma_wait3A_946, %dma_wait3A_948, %dma_wait3A_949] : memref<3x32x1024xf32, #tpu.memory_space<vmem>> -> memref<1x32x1024xf32, #tpu.memory_space<vmem>>
    %dma_wait3A_951 = tpu.memref_squeeze %dma_wait3A_950 : memref<1x32x1024xf32, #tpu.memory_space<vmem>> -> memref<32x1024xf32, #tpu.memory_space<vmem>>
    %dma_wait3A_952 = arith.constant 0 : i32
    %dma_wait3A_953 = tpu.memref_slice %arg2[%add3A_793, %dma_wait3A_952] : memref<16384x1024xf32, #tpu.memory_space<hbm>> -> memref<32x1024xf32, #tpu.memory_space<hbm>>
    %dma_wait3A_954 = tpu.memref_slice %arg7[%dma_wait3A_947] : memref<3x!tpu.dma_semaphore, #tpu.memory_space<semaphore_mem>> -> memref<1x!tpu.dma_semaphore, #tpu.memory_space<semaphore_mem>>
    %dma_wait3A_955 = tpu.memref_squeeze %dma_wait3A_954 : memref<1x!tpu.dma_semaphore, #tpu.memory_space<semaphore_mem>> -> memref<!tpu.dma_semaphore, #tpu.memory_space<semaphore_mem>>
    %dma_wait3A_956 = arith.constant 0 : i32
    %dma_wait3A_957 = arith.constant 0 : i32
    %dma_wait3A_958 = tpu.memref_slice %arg5[%dma_wait3A_946, %dma_wait3A_956, %dma_wait3A_957] : memref<3x32x1024xf32, #tpu.memory_space<vmem>> -> memref<1x32x1024xf32, #tpu.memory_space<vmem>>
    %dma_wait3A_959 = tpu.memref_squeeze %dma_wait3A_958 : memref<1x32x1024xf32, #tpu.memory_space<vmem>> -> memref<32x1024xf32, #tpu.memory_space<vmem>>
    %dma_wait3A_960 = arith.constant 0 : i32
    %dma_wait3A_961 = tpu.memref_slice %arg2[%add3A_793, %dma_wait3A_960] : memref<16384x1024xf32, #tpu.memory_space<hbm>> -> memref<32x1024xf32, #tpu.memory_space<hbm>>
    tpu.wait_dma2 semaphore(%dma_wait3A_955 : memref<!tpu.dma_semaphore, #tpu.memory_space<semaphore_mem>>) src(%dma_wait3A_961 : memref<32x1024xf32, #tpu.memory_space<hbm>>) dst(%dma_wait3A_959 : memref<32x1024xf32, #tpu.memory_space<vmem>>)
    %add3A_962 = arith.constant 416 : i32
    %add3A_963 = arith.addi %mul3A_2, %add3A_962 : i32
    %dma_start3A_964 = arith.constant 1 : i32
    %dma_start3A_965 = arith.constant 1 : i32
    %dma_start3A_966 = arith.constant 0 : i32
    %dma_start3A_967 = arith.constant 0 : i32
    %dma_start3A_968 = tpu.memref_slice %arg5[%dma_start3A_964, %dma_start3A_966, %dma_start3A_967] : memref<3x32x1024xf32, #tpu.memory_space<vmem>> -> memref<1x32x1024xf32, #tpu.memory_space<vmem>>
    %dma_start3A_969 = tpu.memref_squeeze %dma_start3A_968 : memref<1x32x1024xf32, #tpu.memory_space<vmem>> -> memref<32x1024xf32, #tpu.memory_space<vmem>>
    %dma_start3A_970 = arith.constant 0 : i32
    %dma_start3A_971 = tpu.memref_slice %arg4[%add3A_963, %dma_start3A_970] : memref<16384x1024xf32, #tpu.memory_space<hbm>> -> memref<32x1024xf32, #tpu.memory_space<hbm>>
    %dma_start3A_972 = tpu.memref_slice %arg8[%dma_start3A_965] : memref<3x!tpu.dma_semaphore, #tpu.memory_space<semaphore_mem>> -> memref<1x!tpu.dma_semaphore, #tpu.memory_space<semaphore_mem>>
    %dma_start3A_973 = tpu.memref_squeeze %dma_start3A_972 : memref<1x!tpu.dma_semaphore, #tpu.memory_space<semaphore_mem>> -> memref<!tpu.dma_semaphore, #tpu.memory_space<semaphore_mem>>
    %dma_start3A_974 = arith.constant 0 : i32
    %dma_start3A_975 = tpu.memref_slice %arg4[%add3A_963, %dma_start3A_974] : memref<16384x1024xf32, #tpu.memory_space<hbm>> -> memref<32x1024xf32, #tpu.memory_space<hbm>>
    %dma_start3A_976 = arith.constant 0 : i32
    %dma_start3A_977 = arith.constant 0 : i32
    %dma_start3A_978 = tpu.memref_slice %arg5[%dma_start3A_964, %dma_start3A_976, %dma_start3A_977] : memref<3x32x1024xf32, #tpu.memory_space<vmem>> -> memref<1x32x1024xf32, #tpu.memory_space<vmem>>
    %dma_start3A_979 = tpu.memref_squeeze %dma_start3A_978 : memref<1x32x1024xf32, #tpu.memory_space<vmem>> -> memref<32x1024xf32, #tpu.memory_space<vmem>>
    tpu.enqueue_dma source(%dma_start3A_979 : memref<32x1024xf32, #tpu.memory_space<vmem>>) target(%dma_start3A_975 : memref<32x1024xf32, #tpu.memory_space<hbm>>) target_semaphore(%dma_start3A_973 : memref<!tpu.dma_semaphore, #tpu.memory_space<semaphore_mem>>)
    %dma_wait3A_980 = arith.constant 2 : i32
    %dma_wait3A_981 = arith.constant 2 : i32
    %dma_wait3A_982 = arith.constant 0 : i32
    %dma_wait3A_983 = arith.constant 0 : i32
    %dma_wait3A_984 = tpu.memref_slice %arg5[%dma_wait3A_980, %dma_wait3A_982, %dma_wait3A_983] : memref<3x32x1024xf32, #tpu.memory_space<vmem>> -> memref<1x32x1024xf32, #tpu.memory_space<vmem>>
    %dma_wait3A_985 = tpu.memref_squeeze %dma_wait3A_984 : memref<1x32x1024xf32, #tpu.memory_space<vmem>> -> memref<32x1024xf32, #tpu.memory_space<vmem>>
    %dma_wait3A_986 = arith.constant 0 : i32
    %dma_wait3A_987 = tpu.memref_slice %arg2[%add3A_861, %dma_wait3A_986] : memref<16384x1024xf32, #tpu.memory_space<hbm>> -> memref<32x1024xf32, #tpu.memory_space<hbm>>
    %dma_wait3A_988 = tpu.memref_slice %arg7[%dma_wait3A_981] : memref<3x!tpu.dma_semaphore, #tpu.memory_space<semaphore_mem>> -> memref<1x!tpu.dma_semaphore, #tpu.memory_space<semaphore_mem>>
    %dma_wait3A_989 = tpu.memref_squeeze %dma_wait3A_988 : memref<1x!tpu.dma_semaphore, #tpu.memory_space<semaphore_mem>> -> memref<!tpu.dma_semaphore, #tpu.memory_space<semaphore_mem>>
    %dma_wait3A_990 = arith.constant 0 : i32
    %dma_wait3A_991 = arith.constant 0 : i32
    %dma_wait3A_992 = tpu.memref_slice %arg5[%dma_wait3A_980, %dma_wait3A_990, %dma_wait3A_991] : memref<3x32x1024xf32, #tpu.memory_space<vmem>> -> memref<1x32x1024xf32, #tpu.memory_space<vmem>>
    %dma_wait3A_993 = tpu.memref_squeeze %dma_wait3A_992 : memref<1x32x1024xf32, #tpu.memory_space<vmem>> -> memref<32x1024xf32, #tpu.memory_space<vmem>>
    %dma_wait3A_994 = arith.constant 0 : i32
    %dma_wait3A_995 = tpu.memref_slice %arg2[%add3A_861, %dma_wait3A_994] : memref<16384x1024xf32, #tpu.memory_space<hbm>> -> memref<32x1024xf32, #tpu.memory_space<hbm>>
    tpu.wait_dma2 semaphore(%dma_wait3A_989 : memref<!tpu.dma_semaphore, #tpu.memory_space<semaphore_mem>>) src(%dma_wait3A_995 : memref<32x1024xf32, #tpu.memory_space<hbm>>) dst(%dma_wait3A_993 : memref<32x1024xf32, #tpu.memory_space<vmem>>)
    %add3A_996 = arith.constant 448 : i32
    %add3A_997 = arith.addi %mul3A_2, %add3A_996 : i32
    %dma_start3A_998 = arith.constant 2 : i32
    %dma_start3A_999 = arith.constant 2 : i32
    %dma_start3A_1000 = arith.constant 0 : i32
    %dma_start3A_1001 = arith.constant 0 : i32
    %dma_start3A_1002 = tpu.memref_slice %arg5[%dma_start3A_998, %dma_start3A_1000, %dma_start3A_1001] : memref<3x32x1024xf32, #tpu.memory_space<vmem>> -> memref<1x32x1024xf32, #tpu.memory_space<vmem>>
    %dma_start3A_1003 = tpu.memref_squeeze %dma_start3A_1002 : memref<1x32x1024xf32, #tpu.memory_space<vmem>> -> memref<32x1024xf32, #tpu.memory_space<vmem>>
    %dma_start3A_1004 = arith.constant 0 : i32
    %dma_start3A_1005 = tpu.memref_slice %arg4[%add3A_997, %dma_start3A_1004] : memref<16384x1024xf32, #tpu.memory_space<hbm>> -> memref<32x1024xf32, #tpu.memory_space<hbm>>
    %dma_start3A_1006 = tpu.memref_slice %arg8[%dma_start3A_999] : memref<3x!tpu.dma_semaphore, #tpu.memory_space<semaphore_mem>> -> memref<1x!tpu.dma_semaphore, #tpu.memory_space<semaphore_mem>>
    %dma_start3A_1007 = tpu.memref_squeeze %dma_start3A_1006 : memref<1x!tpu.dma_semaphore, #tpu.memory_space<semaphore_mem>> -> memref<!tpu.dma_semaphore, #tpu.memory_space<semaphore_mem>>
    %dma_start3A_1008 = arith.constant 0 : i32
    %dma_start3A_1009 = tpu.memref_slice %arg4[%add3A_997, %dma_start3A_1008] : memref<16384x1024xf32, #tpu.memory_space<hbm>> -> memref<32x1024xf32, #tpu.memory_space<hbm>>
    %dma_start3A_1010 = arith.constant 0 : i32
    %dma_start3A_1011 = arith.constant 0 : i32
    %dma_start3A_1012 = tpu.memref_slice %arg5[%dma_start3A_998, %dma_start3A_1010, %dma_start3A_1011] : memref<3x32x1024xf32, #tpu.memory_space<vmem>> -> memref<1x32x1024xf32, #tpu.memory_space<vmem>>
    %dma_start3A_1013 = tpu.memref_squeeze %dma_start3A_1012 : memref<1x32x1024xf32, #tpu.memory_space<vmem>> -> memref<32x1024xf32, #tpu.memory_space<vmem>>
    tpu.enqueue_dma source(%dma_start3A_1013 : memref<32x1024xf32, #tpu.memory_space<vmem>>) target(%dma_start3A_1009 : memref<32x1024xf32, #tpu.memory_space<hbm>>) target_semaphore(%dma_start3A_1007 : memref<!tpu.dma_semaphore, #tpu.memory_space<semaphore_mem>>)
    %dma_wait3A_1014 = arith.constant 0 : i32
    %dma_wait3A_1015 = arith.constant 0 : i32
    %dma_wait3A_1016 = arith.constant 0 : i32
    %dma_wait3A_1017 = arith.constant 0 : i32
    %dma_wait3A_1018 = tpu.memref_slice %arg5[%dma_wait3A_1014, %dma_wait3A_1016, %dma_wait3A_1017] : memref<3x32x1024xf32, #tpu.memory_space<vmem>> -> memref<1x32x1024xf32, #tpu.memory_space<vmem>>
    %dma_wait3A_1019 = tpu.memref_squeeze %dma_wait3A_1018 : memref<1x32x1024xf32, #tpu.memory_space<vmem>> -> memref<32x1024xf32, #tpu.memory_space<vmem>>
    %dma_wait3A_1020 = arith.constant 0 : i32
    %dma_wait3A_1021 = tpu.memref_slice %arg2[%add3A_929, %dma_wait3A_1020] : memref<16384x1024xf32, #tpu.memory_space<hbm>> -> memref<32x1024xf32, #tpu.memory_space<hbm>>
    %dma_wait3A_1022 = tpu.memref_slice %arg7[%dma_wait3A_1015] : memref<3x!tpu.dma_semaphore, #tpu.memory_space<semaphore_mem>> -> memref<1x!tpu.dma_semaphore, #tpu.memory_space<semaphore_mem>>
    %dma_wait3A_1023 = tpu.memref_squeeze %dma_wait3A_1022 : memref<1x!tpu.dma_semaphore, #tpu.memory_space<semaphore_mem>> -> memref<!tpu.dma_semaphore, #tpu.memory_space<semaphore_mem>>
    %dma_wait3A_1024 = arith.constant 0 : i32
    %dma_wait3A_1025 = arith.constant 0 : i32
    %dma_wait3A_1026 = tpu.memref_slice %arg5[%dma_wait3A_1014, %dma_wait3A_1024, %dma_wait3A_1025] : memref<3x32x1024xf32, #tpu.memory_space<vmem>> -> memref<1x32x1024xf32, #tpu.memory_space<vmem>>
    %dma_wait3A_1027 = tpu.memref_squeeze %dma_wait3A_1026 : memref<1x32x1024xf32, #tpu.memory_space<vmem>> -> memref<32x1024xf32, #tpu.memory_space<vmem>>
    %dma_wait3A_1028 = arith.constant 0 : i32
    %dma_wait3A_1029 = tpu.memref_slice %arg2[%add3A_929, %dma_wait3A_1028] : memref<16384x1024xf32, #tpu.memory_space<hbm>> -> memref<32x1024xf32, #tpu.memory_space<hbm>>
    tpu.wait_dma2 semaphore(%dma_wait3A_1023 : memref<!tpu.dma_semaphore, #tpu.memory_space<semaphore_mem>>) src(%dma_wait3A_1029 : memref<32x1024xf32, #tpu.memory_space<hbm>>) dst(%dma_wait3A_1027 : memref<32x1024xf32, #tpu.memory_space<vmem>>)
    %add3A_1030 = arith.constant 480 : i32
    %add3A_1031 = arith.addi %mul3A_2, %add3A_1030 : i32
    %dma_start3A_1032 = arith.constant 0 : i32
    %dma_start3A_1033 = arith.constant 0 : i32
    %dma_start3A_1034 = arith.constant 0 : i32
    %dma_start3A_1035 = arith.constant 0 : i32
    %dma_start3A_1036 = tpu.memref_slice %arg5[%dma_start3A_1032, %dma_start3A_1034, %dma_start3A_1035] : memref<3x32x1024xf32, #tpu.memory_space<vmem>> -> memref<1x32x1024xf32, #tpu.memory_space<vmem>>
    %dma_start3A_1037 = tpu.memref_squeeze %dma_start3A_1036 : memref<1x32x1024xf32, #tpu.memory_space<vmem>> -> memref<32x1024xf32, #tpu.memory_space<vmem>>
    %dma_start3A_1038 = arith.constant 0 : i32
    %dma_start3A_1039 = tpu.memref_slice %arg4[%add3A_1031, %dma_start3A_1038] : memref<16384x1024xf32, #tpu.memory_space<hbm>> -> memref<32x1024xf32, #tpu.memory_space<hbm>>
    %dma_start3A_1040 = tpu.memref_slice %arg8[%dma_start3A_1033] : memref<3x!tpu.dma_semaphore, #tpu.memory_space<semaphore_mem>> -> memref<1x!tpu.dma_semaphore, #tpu.memory_space<semaphore_mem>>
    %dma_start3A_1041 = tpu.memref_squeeze %dma_start3A_1040 : memref<1x!tpu.dma_semaphore, #tpu.memory_space<semaphore_mem>> -> memref<!tpu.dma_semaphore, #tpu.memory_space<semaphore_mem>>
    %dma_start3A_1042 = arith.constant 0 : i32
    %dma_start3A_1043 = tpu.memref_slice %arg4[%add3A_1031, %dma_start3A_1042] : memref<16384x1024xf32, #tpu.memory_space<hbm>> -> memref<32x1024xf32, #tpu.memory_space<hbm>>
    %dma_start3A_1044 = arith.constant 0 : i32
    %dma_start3A_1045 = arith.constant 0 : i32
    %dma_start3A_1046 = tpu.memref_slice %arg5[%dma_start3A_1032, %dma_start3A_1044, %dma_start3A_1045] : memref<3x32x1024xf32, #tpu.memory_space<vmem>> -> memref<1x32x1024xf32, #tpu.memory_space<vmem>>
    %dma_start3A_1047 = tpu.memref_squeeze %dma_start3A_1046 : memref<1x32x1024xf32, #tpu.memory_space<vmem>> -> memref<32x1024xf32, #tpu.memory_space<vmem>>
    tpu.enqueue_dma source(%dma_start3A_1047 : memref<32x1024xf32, #tpu.memory_space<vmem>>) target(%dma_start3A_1043 : memref<32x1024xf32, #tpu.memory_space<hbm>>) target_semaphore(%dma_start3A_1041 : memref<!tpu.dma_semaphore, #tpu.memory_space<semaphore_mem>>)
    %dma_wait3A_1048 = arith.constant 1 : i32
    %dma_wait3A_1049 = arith.constant 1 : i32
    %dma_wait3A_1050 = arith.constant 0 : i32
    %dma_wait3A_1051 = arith.constant 0 : i32
    %dma_wait3A_1052 = tpu.memref_slice %arg5[%dma_wait3A_1048, %dma_wait3A_1050, %dma_wait3A_1051] : memref<3x32x1024xf32, #tpu.memory_space<vmem>> -> memref<1x32x1024xf32, #tpu.memory_space<vmem>>
    %dma_wait3A_1053 = tpu.memref_squeeze %dma_wait3A_1052 : memref<1x32x1024xf32, #tpu.memory_space<vmem>> -> memref<32x1024xf32, #tpu.memory_space<vmem>>
    %dma_wait3A_1054 = arith.constant 0 : i32
    %dma_wait3A_1055 = tpu.memref_slice %arg4[%add3A_963, %dma_wait3A_1054] : memref<16384x1024xf32, #tpu.memory_space<hbm>> -> memref<32x1024xf32, #tpu.memory_space<hbm>>
    %dma_wait3A_1056 = tpu.memref_slice %arg8[%dma_wait3A_1049] : memref<3x!tpu.dma_semaphore, #tpu.memory_space<semaphore_mem>> -> memref<1x!tpu.dma_semaphore, #tpu.memory_space<semaphore_mem>>
    %dma_wait3A_1057 = tpu.memref_squeeze %dma_wait3A_1056 : memref<1x!tpu.dma_semaphore, #tpu.memory_space<semaphore_mem>> -> memref<!tpu.dma_semaphore, #tpu.memory_space<semaphore_mem>>
    %dma_wait3A_1058 = arith.constant 0 : i32
    %dma_wait3A_1059 = tpu.memref_slice %arg4[%add3A_963, %dma_wait3A_1058] : memref<16384x1024xf32, #tpu.memory_space<hbm>> -> memref<32x1024xf32, #tpu.memory_space<hbm>>
    %dma_wait3A_1060 = arith.constant 0 : i32
    %dma_wait3A_1061 = arith.constant 0 : i32
    %dma_wait3A_1062 = tpu.memref_slice %arg5[%dma_wait3A_1048, %dma_wait3A_1060, %dma_wait3A_1061] : memref<3x32x1024xf32, #tpu.memory_space<vmem>> -> memref<1x32x1024xf32, #tpu.memory_space<vmem>>
    %dma_wait3A_1063 = tpu.memref_squeeze %dma_wait3A_1062 : memref<1x32x1024xf32, #tpu.memory_space<vmem>> -> memref<32x1024xf32, #tpu.memory_space<vmem>>
    tpu.wait_dma2 semaphore(%dma_wait3A_1057 : memref<!tpu.dma_semaphore, #tpu.memory_space<semaphore_mem>>) src(%dma_wait3A_1063 : memref<32x1024xf32, #tpu.memory_space<vmem>>) dst(%dma_wait3A_1059 : memref<32x1024xf32, #tpu.memory_space<hbm>>)
    %dma_wait3A_1064 = arith.constant 2 : i32
    %dma_wait3A_1065 = arith.constant 2 : i32
    %dma_wait3A_1066 = arith.constant 0 : i32
    %dma_wait3A_1067 = arith.constant 0 : i32
    %dma_wait3A_1068 = tpu.memref_slice %arg5[%dma_wait3A_1064, %dma_wait3A_1066, %dma_wait3A_1067] : memref<3x32x1024xf32, #tpu.memory_space<vmem>> -> memref<1x32x1024xf32, #tpu.memory_space<vmem>>
    %dma_wait3A_1069 = tpu.memref_squeeze %dma_wait3A_1068 : memref<1x32x1024xf32, #tpu.memory_space<vmem>> -> memref<32x1024xf32, #tpu.memory_space<vmem>>
    %dma_wait3A_1070 = arith.constant 0 : i32
    %dma_wait3A_1071 = tpu.memref_slice %arg4[%add3A_997, %dma_wait3A_1070] : memref<16384x1024xf32, #tpu.memory_space<hbm>> -> memref<32x1024xf32, #tpu.memory_space<hbm>>
    %dma_wait3A_1072 = tpu.memref_slice %arg8[%dma_wait3A_1065] : memref<3x!tpu.dma_semaphore, #tpu.memory_space<semaphore_mem>> -> memref<1x!tpu.dma_semaphore, #tpu.memory_space<semaphore_mem>>
    %dma_wait3A_1073 = tpu.memref_squeeze %dma_wait3A_1072 : memref<1x!tpu.dma_semaphore, #tpu.memory_space<semaphore_mem>> -> memref<!tpu.dma_semaphore, #tpu.memory_space<semaphore_mem>>
    %dma_wait3A_1074 = arith.constant 0 : i32
    %dma_wait3A_1075 = tpu.memref_slice %arg4[%add3A_997, %dma_wait3A_1074] : memref<16384x1024xf32, #tpu.memory_space<hbm>> -> memref<32x1024xf32, #tpu.memory_space<hbm>>
    %dma_wait3A_1076 = arith.constant 0 : i32
    %dma_wait3A_1077 = arith.constant 0 : i32
    %dma_wait3A_1078 = tpu.memref_slice %arg5[%dma_wait3A_1064, %dma_wait3A_1076, %dma_wait3A_1077] : memref<3x32x1024xf32, #tpu.memory_space<vmem>> -> memref<1x32x1024xf32, #tpu.memory_space<vmem>>
    %dma_wait3A_1079 = tpu.memref_squeeze %dma_wait3A_1078 : memref<1x32x1024xf32, #tpu.memory_space<vmem>> -> memref<32x1024xf32, #tpu.memory_space<vmem>>
    tpu.wait_dma2 semaphore(%dma_wait3A_1073 : memref<!tpu.dma_semaphore, #tpu.memory_space<semaphore_mem>>) src(%dma_wait3A_1079 : memref<32x1024xf32, #tpu.memory_space<vmem>>) dst(%dma_wait3A_1075 : memref<32x1024xf32, #tpu.memory_space<hbm>>)
    %dma_wait3A_1080 = arith.constant 0 : i32
    %dma_wait3A_1081 = arith.constant 0 : i32
    %dma_wait3A_1082 = arith.constant 0 : i32
    %dma_wait3A_1083 = arith.constant 0 : i32
    %dma_wait3A_1084 = tpu.memref_slice %arg5[%dma_wait3A_1080, %dma_wait3A_1082, %dma_wait3A_1083] : memref<3x32x1024xf32, #tpu.memory_space<vmem>> -> memref<1x32x1024xf32, #tpu.memory_space<vmem>>
    %dma_wait3A_1085 = tpu.memref_squeeze %dma_wait3A_1084 : memref<1x32x1024xf32, #tpu.memory_space<vmem>> -> memref<32x1024xf32, #tpu.memory_space<vmem>>
    %dma_wait3A_1086 = arith.constant 0 : i32
    %dma_wait3A_1087 = tpu.memref_slice %arg4[%add3A_1031, %dma_wait3A_1086] : memref<16384x1024xf32, #tpu.memory_space<hbm>> -> memref<32x1024xf32, #tpu.memory_space<hbm>>
    %dma_wait3A_1088 = tpu.memref_slice %arg8[%dma_wait3A_1081] : memref<3x!tpu.dma_semaphore, #tpu.memory_space<semaphore_mem>> -> memref<1x!tpu.dma_semaphore, #tpu.memory_space<semaphore_mem>>
    %dma_wait3A_1089 = tpu.memref_squeeze %dma_wait3A_1088 : memref<1x!tpu.dma_semaphore, #tpu.memory_space<semaphore_mem>> -> memref<!tpu.dma_semaphore, #tpu.memory_space<semaphore_mem>>
    %dma_wait3A_1090 = arith.constant 0 : i32
    %dma_wait3A_1091 = tpu.memref_slice %arg4[%add3A_1031, %dma_wait3A_1090] : memref<16384x1024xf32, #tpu.memory_space<hbm>> -> memref<32x1024xf32, #tpu.memory_space<hbm>>
    %dma_wait3A_1092 = arith.constant 0 : i32
    %dma_wait3A_1093 = arith.constant 0 : i32
    %dma_wait3A_1094 = tpu.memref_slice %arg5[%dma_wait3A_1080, %dma_wait3A_1092, %dma_wait3A_1093] : memref<3x32x1024xf32, #tpu.memory_space<vmem>> -> memref<1x32x1024xf32, #tpu.memory_space<vmem>>
    %dma_wait3A_1095 = tpu.memref_squeeze %dma_wait3A_1094 : memref<1x32x1024xf32, #tpu.memory_space<vmem>> -> memref<32x1024xf32, #tpu.memory_space<vmem>>
    tpu.wait_dma2 semaphore(%dma_wait3A_1089 : memref<!tpu.dma_semaphore, #tpu.memory_space<semaphore_mem>>) src(%dma_wait3A_1095 : memref<32x1024xf32, #tpu.memory_space<vmem>>) dst(%dma_wait3A_1091 : memref<32x1024xf32, #tpu.memory_space<hbm>>)
    return
  }
}

module attributes {stable_mosaic.version = 14 : i64} {
  func.func @_x_kernel(%arg0: i32, %arg1: memref<8192x256xf32, #tpu.memory_space<vmem>>, %arg2: memref<2x256xf32, #tpu.memory_space<vmem>>, %arg3: memref<8192x256xf32, #tpu.memory_space<vmem>>) attributes {dimension_semantics = [#tpu.dimension_semantics<arbitrary>], iteration_bounds = array<i64: 32>, scalar_prefetch = 0 : i64, scratch_operands = 0 : i64, tpu.core_type = #tpu.core_type<tc>, window_params = [{transform_indices = @transform_0, window_bounds = array<i64: 8192, 256>}, {pipeline_mode = #tpu.pipeline_mode<synchronous>, transform_indices = @transform_1, window_bounds = array<i64: 2, 256>}, {transform_indices = @transform_2, window_bounds = array<i64: 8192, 256>}]} {
    %get3A = arith.constant 0 : index
    %get3A_0 = arith.constant 0 : index
    %get3A_1 = vector.load %arg1[%get3A, %get3A_0] : memref<8192x256xf32, #tpu.memory_space<vmem>>, vector<8192x256xf32>
    %swap3A = arith.constant 0 : index
    %swap3A_2 = arith.constant 0 : index
    %swap3A_3 = vector.load %arg3[%swap3A, %swap3A_2] : memref<8192x256xf32, #tpu.memory_space<vmem>>, vector<8192x256xf32>
    tpu.vector_store %arg3[%swap3A, %swap3A_2], %get3A_1 {strides = array<i32>} : memref<8192x256xf32, #tpu.memory_space<vmem>>, vector<8192x256xf32>,
    %eq3A = arith.constant 0 : i32
    %eq3A_4 = arith.cmpi eq, %arg0, %eq3A : i32
    %convert_element_type3A = arith.extui %eq3A_4 : i1 to i32
    %cond3A = arith.constant 0 : i32
    %cond3A_5 = arith.cmpi ne, %convert_element_type3A, %cond3A : i32
    scf.if %cond3A_5 {
      %get3A_6 = arith.constant 0 : index
      %get3A_7 = arith.constant 0 : index
      %get3A_8 = vector.load %arg2[%get3A_6, %get3A_7] : memref<2x256xf32, #tpu.memory_space<vmem>>, vector<1x256xf32>
      %swap3A_9 = arith.constant 10 : index
      %swap3A_10 = arith.constant 0 : index
      %swap3A_11 = vector.load %arg3[%swap3A_9, %swap3A_10] : memref<8192x256xf32, #tpu.memory_space<vmem>>, vector<1x256xf32>
      tpu.vector_store %arg3[%swap3A_9, %swap3A_10], %get3A_8 {strides = array<i32>} : memref<8192x256xf32, #tpu.memory_space<vmem>>, vector<1x256xf32>,
      %get3A_12 = arith.constant 1 : index
      %get3A_13 = arith.constant 0 : index
      %get3A_14 = vector.load %arg2[%get3A_12, %get3A_13] : memref<2x256xf32, #tpu.memory_space<vmem>>, vector<1x256xf32>
      %swap3A_15 = arith.constant 2 : index
      %swap3A_16 = arith.constant 0 : index
      %swap3A_17 = vector.load %arg3[%swap3A_15, %swap3A_16] : memref<8192x256xf32, #tpu.memory_space<vmem>>, vector<1x256xf32>
      tpu.vector_store %arg3[%swap3A_15, %swap3A_16], %get3A_14 {strides = array<i32>} : memref<8192x256xf32, #tpu.memory_space<vmem>>, vector<1x256xf32>,
      %broadcast_in_dim3A = arith.constant 4.500000e+01 : f32
      %broadcast_in_dim3A_18 = vector.broadcast %broadcast_in_dim3A : f32 to vector<1x256xf32>
      %swap3A_19 = arith.constant 1 : index
      %swap3A_20 = arith.constant 0 : index
      %swap3A_21 = vector.load %arg3[%swap3A_19, %swap3A_20] : memref<8192x256xf32, #tpu.memory_space<vmem>>, vector<1x256xf32>
      tpu.vector_store %arg3[%swap3A_19, %swap3A_20], %broadcast_in_dim3A_18 {strides = array<i32>} : memref<8192x256xf32, #tpu.memory_space<vmem>>, vector<1x256xf32>,
    } else {
    }
    return
  }
  func.func @transform_0(%arg0: i32) -> (i32, i32) {
    %c0_i32 = arith.constant 0 : i32
    %c0_i32_0 = arith.constant 0 : i32
    return %arg0, %c0_i32 : i32, i32
  }
  func.func @transform_1(%arg0: i32) -> (i32, i32) {
    %c0_i32 = arith.constant 0 : i32
    %c0_i32_0 = arith.constant 0 : i32
    %c0_i32_1 = arith.constant 0 : i32
    return %c0_i32, %c0_i32_0 : i32, i32
  }
  func.func @transform_2(%arg0: i32) -> (i32, i32) {
    %c0_i32 = arith.constant 0 : i32
    %c0_i32_0 = arith.constant 0 : i32
    return %arg0, %c0_i32 : i32, i32
  }
}

</mosaic_0001>

<sc_bundles>
// kernel: kernel.4.cloned.1.call-start
scs
__scs_entry_jumppad:
0x0: {  	(pc) =	sbr.rel $0x88, $3  }
0x1: {  	(tag) =	ssettag $0x0;
	lr =	simm.s32 $0x1  }
0x2: {  	[smem:$0x3F9D] =	sst lr;
	_ =	strace $0xD0000000  }
0x3: {  	_ = 	snop  }
0x4: {  	_ = 	snop  }
0x5: {  	_ = 	snop  }
0x6: {  	_ = 	snop  }
0x7: {  	_ = 	snop  }
__scs_overlays_trampoline_lowered:
0x8: {  	[smem:$0x3FAC] =	sst s0  }
0x9: {  	[smem:$0x3FAD] =	sst s1  }
0xa: {  	[smem:$0x3FAE] =	sst s2  }
0xb: {  	[smem:$0x3FAF] =	sst s3  }
0xc: {  	[smem:$0x3FB0] =	sst s4  }
0xd: {  	[smem:$0x3FB1] =	sst s5  }
0xe: {  	[smem:$0x3FB2] =	sst s6  }
0xf: {  	[smem:$0x3FB3] =	sst s7  }
0x10: {  	[smem:$0x3FB4] =	sst s8  }
0x11: {  	[smem:$0x3FB5] =	sst s9;
	s0 =	simm.s32 @!p0 $0x0  }
0x12: {  	s1 =	sld [smem:$0x3F9B];
	s0 =	simm.s32 @p0 $0x1  }
0x13: {  	[smem:$0x3FB6] =	sst s0;
	s0 =	simm.s32 @!p1 $0x0  }
0x14: {  	s2 =	sld [smem:$0x3F9A];
	s0 =	simm.s32 @p1 $0x1  }
0x15: {  	[smem:$0x3FB7] =	sst s0;
	s0 =	simm.s32 @!p2 $0x0  }
0x16: {  	s3 =	sld [smem:$0x3FDB];
	s0 =	simm.s32 @p2 $0x1  }
0x17: {  	s4 =	simm.s32 $0x1BF5;
	[smem:$0x3FB9] =	sst s0  }
0x18: {  	s0 =	sld [smem:$0x3F9C];
	_ =	swait.ge [sflag:s4], $0x0  }
0x19: {  	s7 =	sld [smem:$0x3F9D]  }
0x1a: {  	s8 =	sadd.s32 $0xFFFFE003, lr  }
0x1b: {  	s9 =	sadd.s32 $0xFFFFFEF7, lr;
	s5 =	simm.s32 $0xFFFFFFFF;
	p2 =	slt.u32 s8, $0xFFFFF086  }
0x1c: {  	p1 =	slt.u32 s9, $0xF7A;
	s5 =	simm.s32 @!p2 $0x0  }
0x1d: {  	s5 =	simm.s32 @p1 $0x1;
	p0 =	seq.s32 s7, s2  }
0x1e: {  	s7 =	smul.u32 @!p0 $0xF7A, s2;
	p2 =	seq.s32 @!p0 s5, $0x0  }
0x1f: {  	s9 =	smul.u32 $0xF7A, s1;
	s8 =	simm.s32 @!p0 $0x1BF5;
	p2 =	por !p2, p0  }
0x20: {  	[sflag:s8] =	ssyncset.s32 @!p0 $0xFFFFF086;
	s6 =	sadd.s32 @!p0 s3, s7;
	s7 =	simm.s32 @!p0 $0x108  }
0x21: {  	s3 =	sadd.s32 s3, s9;
	s6 =	sadd.s32 @!p0 $0x88, s6;
	s7 =	simm.s32 @p2 $0x1082  }
0x22: {  	[simem:s7], [sflag:s8] =	dma.local @!p0 [hbm:s6], $0xF7A  }
0x23: {  	s9 =	sor.u32 $0xD0000000, s2;
	s6 =	simm.s32 $0x108;
	_ =	swait.ge @!p0 [sflag:s8], $0x0  }
0x24: {  	s3 =	sadd.s32 $0x88, s3;
	s6 =	simm.s32 @!p1 $0x1082;
	[sflag:s4] =	ssyncset.s32 $0xFFFFF086  }
0x25: {  	[simem:s6], [sflag:s4] =	dma.local [hbm:s3], $0xF7A  }
0x26: {  	[smem:$0x3F9D] =	sst s1;
	(tag) =	ssettag s2;
	_ =	strace s9  }
0x27: {  	s1 =	sld [smem:$0x3FAD]  }
0x28: {  	s2 =	sld [smem:$0x3FAE]  }
0x29: {  	s4 =	sld [smem:$0x3FB0]  }
0x2a: {  	p0 =	seq.s32 s5, $0x0;
	s5 =	sld [smem:$0x3FB1]  }
0x2b: {  	s6 =	sld [smem:$0x3FB2]  }
0x2c: {  	s7 =	sld [smem:$0x3FB3]  }
0x2d: {  	s3 =	simm.s32 $0x108;
	s8 =	sld [smem:$0x3FB4]  }
0x2e: {  	s3 =	simm.s32 @!p0 $0x1082;
	s9 =	sld [smem:$0x3FB5]  }
0x2f: {  	lr =	sadd.s32 s0, s3;
	s0 =	sld [smem:$0x3FAC]  }
0x30: {  	s3 =	sld [smem:$0x3FAF]  }
0x31: {  	[smem:$0x3FB8] =	sst s10  }
0x32: {  	s10 =	sld [smem:$0x3FB6];
	_ =	sdelay $0x3  }
0x33: {  	p0 =	seq.s32 s10, $0x1;
	s10 =	sld [smem:$0x3FB8];
	_ =	sdelay $0x3  }
0x34: {  	[smem:$0x3FB8] =	sst s10  }
0x35: {  	s10 =	sld [smem:$0x3FB7];
	_ =	sdelay $0x3  }
0x36: {  	p1 =	seq.s32 s10, $0x1;
	s10 =	sld [smem:$0x3FB8];
	_ =	sdelay $0x3  }
0x37: {  	[smem:$0x3FB8] =	sst s10  }
0x38: {  	s10 =	sld [smem:$0x3FB9]  }
0x39: {  	_ = 	snop;
	(pc) =	sbr.ind lr, $3  }
0x3a: {  	_ = 	snop  }
0x3b: {  	_ = 	snop  }
0x3c: {  	p2 =	seq.s32 s10, $0x1;
	s10 =	sld [smem:$0x3FB8]  }
0x3d: {  	_ =	shalt  }
0x3e: {  	_ =	shalt  }
0x3f: {  	_ =	shalt  }
0x40: {  	_ =	shalt  }
0x41: {  	_ =	shalt  }
0x42: {  	_ =	shalt  }
0x43: {  	_ =	shalt  }
0x44: {  	_ =	shalt  }
0x45: {  	_ =	shalt  }
0x46: {  	_ =	shalt  }
0x47: {  	_ =	shalt  }
0x48: {  	_ =	shalt  }
0x49: {  	_ =	shalt  }
0x4a: {  	_ =	shalt  }
0x4b: {  	_ =	shalt  }
0x4c: {  	_ =	shalt  }
0x4d: {  	_ =	shalt  }
0x4e: {  	_ =	shalt  }
0x4f: {  	_ =	shalt  }
0x50: {  	_ =	shalt  }
0x51: {  	_ =	shalt  }
0x52: {  	_ =	shalt  }
0x53: {  	_ =	shalt  }
0x54: {  	_ =	shalt  }
0x55: {  	_ =	shalt  }
0x56: {  	_ =	shalt  }
0x57: {  	_ =	shalt  }
0x58: {  	_ =	shalt  }
0x59: {  	_ =	shalt  }
0x5a: {  	_ =	shalt  }
0x5b: {  	_ =	shalt  }
0x5c: {  	_ =	shalt  }
0x5d: {  	_ =	shalt  }
0x5e: {  	_ =	shalt  }
0x5f: {  	_ =	shalt  }
0x60: {  	_ =	shalt  }
0x61: {  	_ =	shalt  }
0x62: {  	_ =	shalt  }
0x63: {  	_ =	shalt  }
0x64: {  	_ =	shalt  }
0x65: {  	_ =	shalt  }
0x66: {  	_ =	shalt  }
0x67: {  	_ =	shalt  }
0x68: {  	_ =	shalt  }
0x69: {  	_ =	shalt  }
0x6a: {  	_ =	shalt  }
0x6b: {  	_ =	shalt  }
0x6c: {  	_ =	shalt  }
0x6d: {  	_ =	shalt  }
0x6e: {  	_ =	shalt  }
0x6f: {  	_ =	shalt  }
0x70: {  	_ =	shalt  }
0x71: {  	_ =	shalt  }
0x72: {  	_ =	shalt  }
0x73: {  	_ =	shalt  }
0x74: {  	_ =	shalt  }
0x75: {  	_ =	shalt  }
0x76: {  	_ =	shalt  }
0x77: {  	_ =	shalt  }
0x78: {  	_ =	shalt  }
0x79: {  	_ =	shalt  }
0x7a: {  	_ =	shalt  }
0x7b: {  	_ =	shalt  }
0x7c: {  	_ =	shalt  }
0x7d: {  	_ =	shalt  }
0x7e: {  	_ =	shalt  }
0x7f: {  	_ =	shalt  }
0x80: {  	_ =	shalt  }
0x81: {  	_ =	shalt  }
0x82: {  	_ =	shalt  }
0x83: {  	_ =	shalt  }
0x84: {  	_ =	shalt  }
0x85: {  	_ =	shalt  }
0x86: {  	_ =	shalt  }
0x87: {  	_ =	shalt  }
.Lfunc_end0:
.L_simem_size_0:
called_computation_lowered:
.L_overlay_start_0:
0x88: {  	s2 =	sld [smem:$0x3FD9]  }
0x89: {  	s3 =	sld [smem:$0x3FFE];
	_ =	sdelay $0x1  }
0x8a: {  	s1 =	srdreg.scid  }
0x8b: {  	s0 =	sand.u32 $0x1, s1  }
0x8c: {  	s15 =	sshll.u32 s0, $0xA;
	s2 =	sadd.s32 s3, s2  }
0x8d: {  	s2 =	sadd.s32 s2, s15  }
0x8e: {  	[smem:$0x3FC4] =	sst s2  }
0x8f: {  	_ = 	snop  }
0x90: {  	s2 =	sld [smem:$0x3FD0];
	_ =	sdelay $0x1  }
0x91: {  	s16 =	sld [smem:$0x3FC7]  }
0x92: {  	s5 =	simm.s32 $0xA;
	s6 =	simm.s32 $0x10;
	s4 =	sld [smem:$0x3FC6]  }
0x93: {  	[smem:s6], [sflag:s5] =	dma.local [hbm:s2], $0x1  }
0x94: {  	_ =	swait.eq [sflag:s5], $0x1  }
0x95: {  	[sflag:s5] =	ssyncset.done $0x0  }
0x96: {  	[sflag:s5] =	ssyncadd.s32 $0xFFFFFFFF  }
0x97: {  	s17 =	sld [smem:$0x11];
	(tm) =	ssettm $0x1  }
0x98: {  	s18 =	sld [smem:$0x3FFB];
	_ =	sdelay $0x3  }
0x99: {  	_ =	strace s18  }
0x9a: {  	s5 =	sld [smem:$0x3FFC];
	_ =	sdelay $0x3  }
0x9b: {  	_ =	strace s5  }
0x9c: {  	s5 =	sld [smem:$0x3FFD];
	_ =	sdelay $0x3  }
0x9d: {  	_ =	strace s5  }
0x9e: {  	_ =	strace $0x8FFFFFFF  }
0x9f: {  	s19 =	sld [smem:$0x3FDB];
	_ =	sdelay $0x1  }
0xa0: {  	s20 =	simm.s32 $_scs_section_size  }
0xa1: {  	s7 =	simm.s32 $_size__tile_overlayer_lowered;
	s8 =	simm.s32 $_tile_overlayer_lowered  }
0xa2: {  	s23 =	simm.s32 $0x1BFF;
	s22 =	sshll.u32 s8, $0x1;
	s5 =	sadd.s32 s20, s19  }
0xa3: {  	s9 =	simm.s32 $0x0;
	s21 =	sshll.u32 s7, $0x1;
	s7 =	sadd.s32 s22, s5  }
0xa4: {  	[timem:s9], [sflag:s23] =	dma.local [hbm:s7], s21  }
0xa5: {  	_ =	swait.ge [sflag:s23], s21  }
0xa6: {  	s6 =	ssub.s32 $0x0, s21;
	[sflag:s23] =	ssyncset.done $0x0  }
0xa7: {  	[sflag:s23] =	ssyncadd.s32 s6;
	_ =	sdelay $0x1  }
0xa8: {  	s24 =	simm.s32 $0x1B8B  }
0xa9: {  	_ =	swait.ge [sflag:s24], $0x1  }
0xaa: {  	[sflag:s24] =	ssyncset.done $0x0  }
0xab: {  	s25 =	simm.s32 $0x1B8E;
	[sflag:s24] =	ssyncadd.s32 $0xFFFFFFFF  }
0xac: {  	s26 =	simm.s32 $execute0_lowered;
	[smem:$0x3FD2] =	sst s25  }
0xad: {  	s6 =	sshll.u32 s26, $0x1;
	_ =	strace $0x80000046;
	[dreg:$0x1] =	wrdreg $0xFFFFFFFF  }
0xae: {  	s28 =	simm.s32 $_size_execute0_lowered;
	s5 =	sadd.s32 s5, s6;
	[dreg:$0x0] =	wrdreg $0x0  }
0xaf: {  	s6 =	sshll.u32 s28, $0x1;
	[dreg:$0x2] =	wrdreg s5  }
0xb0: {  	[dreg:$0x3] =	wrdreg s6  }
0xb1: {  	[dreg:$0x4] =	wrdreg $0xC0  }
0xb2: {  	_ =	task [dreg:s9], $0x5FFFF  }
0xb3: {  	[dreg:$0x1] =	wrdreg $0xFFFFFFFF  }
0xb4: {  	[dreg:$0x0] =	wrdreg $0x60  }
0xb5: {  	[dreg:$0x2] =	wrdreg s16  }
0xb6: {  	[dreg:$0x3] =	wrdreg s4  }
0xb7: {  	[dreg:$0x4] =	wrdreg s17  }
0xb8: {  	[dreg:$0x5] =	wrdreg $0x9  }
0xb9: {  	_ =	task.clear_ibuf [dreg:s9], $0x6FFFF;
	_ =	strace $0x90000046  }
0xba: {  	s29 =	simm.s32 $0x9;
	_ =	strace $0x80000048  }
0xbb: {  	_ =	swait.ge [sflag:s29], $0x1  }
0xbc: {  	[sflag:s29] =	ssyncadd.s32 $0xFFFFFFFF  }
0xbd: {  	_ =	strace $0x90000048  }
0xbe: {  	_ =	sfence  }
0xbf: {  	s30 =	sld [smem:$0x0];
	_ =	sdelay $0x2  }
0xc0: {  	s31 =	sshll.u32 s1, $0xD;
	s1 =	sshrl.u32 s1, $0x2  }
0xc1: {  	s3 =	sand.u32 $0x4000, s31;
	s1 =	sadd.s32 s1, s30  }
0xc2: {  	s0 =	sor.u32 s3, s0;
	s1 =	sshll.u32 s1, $0x11  }
0xc3: {  	s0 =	sor.u32 s1, s0  }
0xc4: {  	s0 =	sadd.s32 $0x8F2B, s0  }
0xc5: {  	[sflag:s0] =	ssyncadd.remote.s32 $0x1  }
0xc6: {  	_ =	sfence.sel $0xFFFF  }
0xc7: {  	[dreg:$0x0] =	wrdreg $0xFFFFFFFF;
	(pc) =	sbr.abs _section_cstart, $3  }
0xc8: {  	[dreg:$0x1] =	wrdreg $0xFFFFFFFF  }
0xc9: {  	_ =	task.clear_ibuf [dreg:s9], $0x2FFFF;
	_ =	strace $0x9FFFFFFF  }
0xca: {  	(tm) =	ssettm $0x7FFFFFFF  }
0xcb: {  	_ =	shalt  }
tec
execute0_lowered:
.L_overlay_start_1:
0x0: {  	(tag) =	ssettag $0x1  }
0x1: {  	s0 =	rddreg [dreg:$0x0]  }
0x2: {  	s1 =	rddreg [dreg:$0x1];
	s2 =	srdreg.scid  }
0x3: {  	s29 =	stileid.u32;
	s31 =	rddreg [dreg:$0x3];
	p1 =	por $0x0, $0x0  }
0x4: {  	[dreg:$0x4] =	wrdreg s1;
	s5 =	sand.u32 $0x1, s2;
	s3 =	sshll.u32 s29, $0x1  }
0x5: {  	s1 =	rddreg [dreg:$0x2];
	s2 =	simm.s32 $0x0;
	s3 =	sor.u32 s5, s3  }
0x6: {  	[smem:$0x7FF] =	sst s2;
	s5 =	ssub.s32 $0x2, s5;
	s4 =	sshll.u32 s3, $0x10  }
0x7: {  	_ =	strace $0x80000047;
	p0 =	sne.s32 s3, $0x0;
	s3 =	simm.s32 $0x4  }
0x8: {  	s6 =	sadd.s32 s0, s4;
	s7 =	sor.u32 $0x1000, s4;
	s8 =	sor.u32 $0x2000, s4  }
0x9: {  	s28 =	sadd.s32 s1, s4;
	s9 =	sor.u32 $0x3000, s4;
	[dreg:$0x5] =	wrdreg s6  }
0xa: {  	s12 =	sor.u32 $0x4000, s4;
	s25 =	sadd.s32 s0, s7;
	[dreg:$0x8] =	wrdreg s28  }
0xb: {  	s15 =	sor.u32 $0x5000, s4;
	s26 =	sadd.s32 s0, s8;
	[dreg:$0x6] =	wrdreg s25  }
0xc: {  	s18 =	sor.u32 $0x6000, s4;
	s10 =	sadd.s32 s0, s9;
	[dreg:$0x7] =	wrdreg s26  }
0xd: {  	s21 =	sor.u32 $0x7000, s4;
	s11 =	sadd.s32 s1, s7;
	[dreg:$0x9] =	wrdreg s10  }
0xe: {  	s24 =	sor.u32 $0x8000, s4;
	s13 =	sadd.s32 s0, s12;
	[dreg:$0xa] =	wrdreg s11  }
0xf: {  	s14 =	sadd.s32 s1, s8;
	s16 =	sadd.s32 s0, s15;
	[dreg:$0xb] =	wrdreg s13  }
0x10: {  	s17 =	sadd.s32 s1, s9;
	s19 =	sadd.s32 s0, s18;
	[dreg:$0xc] =	wrdreg s14  }
0x11: {  	s20 =	sadd.s32 s1, s12;
	s22 =	sadd.s32 s0, s21;
	[dreg:$0xd] =	wrdreg s16  }
0x12: {  	s23 =	sadd.s32 s1, s15;
	s28 =	sadd.s32 s1, s18;
	[dreg:$0xe] =	wrdreg s17  }
0x13: {  	s9 =	sor.u32 $0x9000, s4;
	s12 =	sor.u32 $0xA000, s4;
	[dreg:$0xf] =	wrdreg s19  }
0x14: {  	s15 =	sor.u32 $0xD000, s4;
	s8 =	simm.s32 $0x10000;
	[dreg:$0x10] =	wrdreg s20  }
0x15: {  	[dreg:$0x12] =	wrdreg s23;
	s26 =	sadd.s32 s0, s24;
	s10 =	sshrl.u32 s5, $0x1  }
0x16: {  	[dreg:$0x14] =	wrdreg s28;
	s11 =	sadd.s32 s1, s21;
	s25 =	sadd.s32 s0, s12  }
0x17: {  	s13 =	sor.u32 $0xB000, s4;
	s14 =	sor.u32 $0xC000, s4;
	s19 =	sadd.s32 s0, s15  }
0x18: {  	s17 =	sor.u32 $0xE000, s4;
	s4 =	sor.u32 $0xF000, s4;
	[dreg:$0x13] =	wrdreg s26  }
0x19: {  	s10 =	ssub.s32 s5, s10;
	s26 =	sadd.s32 s0, s9;
	[dreg:$0x15] =	wrdreg s11  }
0x1a: {  	s23 =	sadd.s32 s0, s13;
	s21 =	sadd.s32 s0, s14;
	s28 =	smax.u32 s10, $0x1  }
0x1b: {  	s16 =	sadd.s32 s0, s17;
	s11 =	sadd.s32 s0, s4;
	s0 =	sadd.s32 $0xFFFFFFFF, s28  }
0x1c: {  	s6 =	simm.s32 $0x5;
	[dreg:$0x11] =	wrdreg s22;
	p2 =	sne.s32 s0, $0x0  }
.Ltmp0:
0x1d: {  	s24 =	sadd.s32 s1, s24;
	s22 =	sadd.s32 s1, s9;
	(pc) =	sbr.rel @!p2 .LBB2_1-.Ltmp0, $4  }
0x1e: {  	s20 =	sadd.s32 s1, s12;
	s12 =	simm.s32 $0x8000;
	s30 =	rddreg [dreg:$0x5]  }
0x1f: {  	s18 =	sadd.s32 s1, s13;
	s13 =	sadd.s32 s1, s14;
	s9 =	sadd.s32 s1, s15  }
0x20: {  	s7 =	sadd.s32 s1, s17;
	s4 =	sadd.s32 s1, s4;
	s15 =	simm.s32 $0x2  }
0x21: {  	vm1 =	vcmask @!p0 $0x704;
	vm0 =	vcmask @!p0 $0xB08;
	vm2 =	vcmask @!p0 $0xF0C;
	s14 =	simm.s32 $0x3;
	s17 =	simm.s32 $0x1;
	s10 =	simm.s32 $0x6  }
0x22: {  	[tilespmem:s2], [sflag:$0x1] =	stream.linear.gather [hbm4b:s30+s2], $0x8000, $0x38;
	[tilespmem:$0x18080] =	vst v63  }
0x23: {  	s1 =	rddreg [dreg:$0x6]  }
0x24: {  	[tilespmem:s12], [sflag:$0x2] =	stream.linear.gather [hbm4b:s1+s2], $0x8000, $0x38;
	[tilespmem:$0x18080] =	vst v63  }
0x25: {  	s29 =	rddreg [dreg:$0x7];
	s28 =	simm.s32 @p0 $0x1  }
0x26: {  	[tilespmem:s8], [sflag:$0x3] =	stream.linear.gather [hbm4b:s29+s2], $0x8000, $0x38;
	[tilespmem:$0x18080] =	vst v63  }
0x27: {  	s30 =	simm.s32 @!p0 $0x0;
	_ =	swait.ge @p0 [sflag:s28], $0x8000  }
0x28: {  	s5 =	smov.u32 s4;
	s4 =	simm.s32 @!p0 $0x18000;
	[sflag:s28] =	ssyncset.done @p0 $0x0  }
0x29: {  	s29 =	simm.s32 @!p0 $0x7;
	s1 =	rddreg [dreg:$0x4];
	[sflag:s28] =	ssyncadd.s32 @p0 $0xFFFF8000  }
0x2a: {  	[tilespmem:s4], [sflag:$0x7] =	stream.linear.gather @!p0 [hbm4b:s1+s30], $0x3, $0x38;
	[tilespmem:$0x18080] =	vst v63  }
0x2b: {  	_ =	swait.ge @!p0 [sflag:s29], $0x3  }
0x2c: {  	[sflag:s29] =	ssyncset.done @!p0 $0x0  }
0x2d: {  	s1 =	simm.s32 @!p0 $0x1;
	[sflag:s29] =	ssyncadd.s32 @!p0 $0xFFFFFFFD  }
0x2e: {  	_ =	swait.ge @!p0 [sflag:s1], $0x8000  }
0x2f: {  	[sflag:s1] =	ssyncset.done @!p0 $0x0  }
0x30: {  	[sflag:s1] =	ssyncadd.s32 @!p0 $0xFFFF8000  }
0x31: {  	v0 =	vld @!p0 [tilespmem:$0x18000];
	_ =	sdelay $0x2  }
0x32: {  	v1 =	vld @!p0 [tilespmem:$0x0]  }
0x33: {  	v2 =	vld @!p0 [tilespmem:$0x80]  }
0x34: {  	v3 =	vbroadcast @!p0 v0, $0x2  }
0x35: {  	v4 =	vbroadcast @!p0 v0, $0x0  }
0x36: {  	v0 =	vbroadcast @!p0 v0, $0x1;
	v3 =	vnsel @!p0 vm1, $0x0, v3  }
0x37: {  	v1 =	vadd.f32 @!p0 v3, v1;
	v3 =	vnsel @!p0 vm2, $0x0, v4  }
0x38: {  	v0 =	vnsel @!p0 vm0, $0x0, v0;
	v2 =	vadd.f32 @!p0 v2, v3  }
0x39: {  	v0 =	vadd.f32 @!p0 v1, v0  }
0x3a: {  	[tilespmem:$0x80] =	vst @!p0 v2  }
0x3b: {  	s30 =	rddreg [dreg:$0x8];
	[tilespmem:$0x0] =	vst @!p0 v0  }
0x3c: {  	[hbm4b:s30+s2] =	stream.linear.scatter [tilespmem:s2], [sflag:$0x4], $0x8000, $0x38;
	[tilespmem:$0x18080] =	vst v63  }
0x3d: {  	_ =	swait.ge [sflag:s3], $0x8000  }
0x3e: {  	[sflag:s3] =	ssyncset.done $0x0  }
0x3f: {  	s30 =	rddreg [dreg:$0x9];
	[sflag:s3] =	ssyncadd.s32 $0xFFFF8000  }
0x40: {  	[tilespmem:s2], [sflag:$0x1] =	stream.linear.gather [hbm4b:s30+s2], $0x8000, $0x38;
	[tilespmem:$0x18080] =	vst v63  }
0x41: {  	_ =	swait.ge [sflag:s15], $0x8000  }
0x42: {  	[sflag:s15] =	ssyncset.done $0x0  }
0x43: {  	s30 =	rddreg [dreg:$0xa];
	[sflag:s15] =	ssyncadd.s32 $0xFFFF8000  }
0x44: {  	[hbm4b:s30+s2] =	stream.linear.scatter [tilespmem:s12], [sflag:$0x5], $0x8000, $0x38;
	[tilespmem:$0x18080] =	vst v63  }
0x45: {  	_ =	swait.ge [sflag:s6], $0x8000  }
0x46: {  	[sflag:s6] =	ssyncset.done $0x0  }
0x47: {  	s30 =	rddreg [dreg:$0xb];
	[sflag:s6] =	ssyncadd.s32 $0xFFFF8000  }
0x48: {  	[tilespmem:s12], [sflag:$0x2] =	stream.linear.gather [hbm4b:s30+s2], $0x8000, $0x38;
	[tilespmem:$0x18080] =	vst v63  }
0x49: {  	_ =	swait.ge [sflag:s14], $0x8000  }
0x4a: {  	[sflag:s14] =	ssyncset.done $0x0  }
0x4b: {  	s30 =	rddreg [dreg:$0xc];
	[sflag:s14] =	ssyncadd.s32 $0xFFFF8000  }
0x4c: {  	[hbm4b:s30+s2] =	stream.linear.scatter [tilespmem:s8], [sflag:$0x6], $0x8000, $0x38;
	[tilespmem:$0x18080] =	vst v63  }
0x4d: {  	_ =	swait.ge [sflag:s10], $0x8000  }
0x4e: {  	[sflag:s10] =	ssyncset.done $0x0  }
0x4f: {  	s30 =	rddreg [dreg:$0xd];
	[sflag:s10] =	ssyncadd.s32 $0xFFFF8000  }
0x50: {  	[tilespmem:s8], [sflag:$0x3] =	stream.linear.gather [hbm4b:s30+s2], $0x8000, $0x38;
	[tilespmem:$0x18080] =	vst v63  }
0x51: {  	_ =	swait.ge [sflag:s17], $0x8000  }
0x52: {  	[sflag:s17] =	ssyncset.done $0x0  }
0x53: {  	s30 =	rddreg [dreg:$0xe];
	[sflag:s17] =	ssyncadd.s32 $0xFFFF8000  }
0x54: {  	[hbm4b:s30+s2] =	stream.linear.scatter [tilespmem:s2], [sflag:$0x4], $0x8000, $0x38;
	[tilespmem:$0x18080] =	vst v63  }
0x55: {  	_ =	swait.ge [sflag:s3], $0x8000  }
0x56: {  	[sflag:s3] =	ssyncset.done $0x0  }
0x57: {  	s30 =	rddreg [dreg:$0xf];
	[sflag:s3] =	ssyncadd.s32 $0xFFFF8000  }
0x58: {  	[tilespmem:s2], [sflag:$0x1] =	stream.linear.gather [hbm4b:s30+s2], $0x8000, $0x38;
	[tilespmem:$0x18080] =	vst v63  }
0x59: {  	_ =	swait.ge [sflag:s15], $0x8000  }
0x5a: {  	[sflag:s15] =	ssyncset.done $0x0  }
0x5b: {  	s30 =	rddreg [dreg:$0x10];
	[sflag:s15] =	ssyncadd.s32 $0xFFFF8000  }
0x5c: {  	[hbm4b:s30+s2] =	stream.linear.scatter [tilespmem:s12], [sflag:$0x5], $0x8000, $0x38;
	[tilespmem:$0x18080] =	vst v63  }
0x5d: {  	_ =	swait.ge [sflag:s6], $0x8000  }
0x5e: {  	[sflag:s6] =	ssyncset.done $0x0  }
0x5f: {  	s30 =	rddreg [dreg:$0x11];
	[sflag:s6] =	ssyncadd.s32 $0xFFFF8000  }
0x60: {  	[tilespmem:s12], [sflag:$0x2] =	stream.linear.gather [hbm4b:s30+s2], $0x8000, $0x38;
	[tilespmem:$0x18080] =	vst v63  }
0x61: {  	_ =	swait.ge [sflag:s14], $0x8000  }
0x62: {  	[sflag:s14] =	ssyncset.done $0x0  }
0x63: {  	s30 =	rddreg [dreg:$0x12];
	[sflag:s14] =	ssyncadd.s32 $0xFFFF8000  }
0x64: {  	[hbm4b:s30+s2] =	stream.linear.scatter [tilespmem:s8], [sflag:$0x6], $0x8000, $0x38;
	[tilespmem:$0x18080] =	vst v63  }
0x65: {  	_ =	swait.ge [sflag:s10], $0x8000  }
0x66: {  	[sflag:s10] =	ssyncset.done $0x0  }
0x67: {  	s30 =	rddreg [dreg:$0x13];
	[sflag:s10] =	ssyncadd.s32 $0xFFFF8000  }
0x68: {  	[tilespmem:s8], [sflag:$0x3] =	stream.linear.gather [hbm4b:s30+s2], $0x8000, $0x38;
	[tilespmem:$0x18080] =	vst v63  }
0x69: {  	_ =	swait.ge [sflag:s17], $0x8000  }
0x6a: {  	[sflag:s17] =	ssyncset.done $0x0  }
0x6b: {  	s30 =	rddreg [dreg:$0x14];
	[sflag:s17] =	ssyncadd.s32 $0xFFFF8000  }
0x6c: {  	[hbm4b:s30+s2] =	stream.linear.scatter [tilespmem:s2], [sflag:$0x4], $0x8000, $0x38;
	[tilespmem:$0x18080] =	vst v63  }
0x6d: {  	_ =	swait.ge [sflag:s3], $0x8000  }
0x6e: {  	[sflag:s3] =	ssyncset.done $0x0  }
0x6f: {  	[sflag:s3] =	ssyncadd.s32 $0xFFFF8000  }
0x70: {  	[tilespmem:s2], [sflag:$0x1] =	stream.linear.gather [hbm4b:s26+s2], $0x8000, $0x38;
	[tilespmem:$0x18080] =	vst v63  }
0x71: {  	_ =	swait.ge [sflag:s15], $0x8000  }
0x72: {  	[sflag:s15] =	ssyncset.done $0x0  }
0x73: {  	s30 =	rddreg [dreg:$0x15];
	[sflag:s15] =	ssyncadd.s32 $0xFFFF8000  }
0x74: {  	[hbm4b:s30+s2] =	stream.linear.scatter [tilespmem:s12], [sflag:$0x5], $0x8000, $0x38;
	[tilespmem:$0x18080] =	vst v63  }
0x75: {  	_ =	swait.ge [sflag:s6], $0x8000  }
0x76: {  	[sflag:s6] =	ssyncset.done $0x0  }
0x77: {  	[sflag:s6] =	ssyncadd.s32 $0xFFFF8000  }
0x78: {  	[tilespmem:s12], [sflag:$0x2] =	stream.linear.gather [hbm4b:s25+s2], $0x8000, $0x38;
	[tilespmem:$0x18080] =	vst v63  }
0x79: {  	_ =	swait.ge [sflag:s14], $0x8000  }
0x7a: {  	[sflag:s14] =	ssyncset.done $0x0  }
0x7b: {  	[sflag:s14] =	ssyncadd.s32 $0xFFFF8000  }
0x7c: {  	[hbm4b:s24+s2] =	stream.linear.scatter [tilespmem:s8], [sflag:$0x6], $0x8000, $0x38;
	[tilespmem:$0x18080] =	vst v63  }
0x7d: {  	_ =	swait.ge [sflag:s10], $0x8000  }
0x7e: {  	[sflag:s10] =	ssyncset.done $0x0  }
0x7f: {  	[sflag:s10] =	ssyncadd.s32 $0xFFFF8000  }
0x80: {  	[tilespmem:s8], [sflag:$0x3] =	stream.linear.gather [hbm4b:s23+s2], $0x8000, $0x38;
	[tilespmem:$0x18080] =	vst v63  }
0x81: {  	_ =	swait.ge [sflag:s17], $0x8000  }
0x82: {  	[sflag:s17] =	ssyncset.done $0x0  }
0x83: {  	[sflag:s17] =	ssyncadd.s32 $0xFFFF8000  }
0x84: {  	[hbm4b:s22+s2] =	stream.linear.scatter [tilespmem:s2], [sflag:$0x4], $0x8000, $0x38;
	[tilespmem:$0x18080] =	vst v63  }
0x85: {  	_ =	swait.ge [sflag:s3], $0x8000  }
0x86: {  	[sflag:s3] =	ssyncset.done $0x0  }
0x87: {  	[sflag:s3] =	ssyncadd.s32 $0xFFFF8000  }
0x88: {  	[tilespmem:s2], [sflag:$0x1] =	stream.linear.gather [hbm4b:s21+s2], $0x8000, $0x38;
	[tilespmem:$0x18080] =	vst v63  }
0x89: {  	_ =	swait.ge [sflag:s15], $0x8000  }
0x8a: {  	[sflag:s15] =	ssyncset.done $0x0  }
0x8b: {  	[sflag:s15] =	ssyncadd.s32 $0xFFFF8000  }
0x8c: {  	[hbm4b:s20+s2] =	stream.linear.scatter [tilespmem:s12], [sflag:$0x5], $0x8000, $0x38;
	[tilespmem:$0x18080] =	vst v63  }
0x8d: {  	_ =	swait.ge [sflag:s6], $0x8000  }
0x8e: {  	[sflag:s6] =	ssyncset.done $0x0  }
0x8f: {  	[sflag:s6] =	ssyncadd.s32 $0xFFFF8000  }
0x90: {  	[tilespmem:s12], [sflag:$0x2] =	stream.linear.gather [hbm4b:s19+s2], $0x8000, $0x38;
	[tilespmem:$0x18080] =	vst v63  }
0x91: {  	_ =	swait.ge [sflag:s14], $0x8000  }
0x92: {  	[sflag:s14] =	ssyncset.done $0x0  }
0x93: {  	[sflag:s14] =	ssyncadd.s32 $0xFFFF8000  }
0x94: {  	[hbm4b:s18+s2] =	stream.linear.scatter [tilespmem:s8], [sflag:$0x6], $0x8000, $0x38;
	[tilespmem:$0x18080] =	vst v63  }
0x95: {  	_ =	swait.ge [sflag:s10], $0x8000  }
0x96: {  	[sflag:s10] =	ssyncset.done $0x0  }
0x97: {  	[sflag:s10] =	ssyncadd.s32 $0xFFFF8000  }
0x98: {  	[tilespmem:s8], [sflag:$0x3] =	stream.linear.gather [hbm4b:s16+s2], $0x8000, $0x38;
	[tilespmem:$0x18080] =	vst v63  }
0x99: {  	_ =	swait.ge [sflag:s17], $0x8000  }
0x9a: {  	[sflag:s17] =	ssyncset.done $0x0  }
0x9b: {  	[sflag:s17] =	ssyncadd.s32 $0xFFFF8000  }
0x9c: {  	[hbm4b:s13+s2] =	stream.linear.scatter [tilespmem:s2], [sflag:$0x4], $0x8000, $0x38;
	[tilespmem:$0x18080] =	vst v63  }
0x9d: {  	_ =	swait.ge [sflag:s3], $0x8000  }
0x9e: {  	[sflag:s3] =	ssyncset.done $0x0  }
0x9f: {  	[sflag:s3] =	ssyncadd.s32 $0xFFFF8000  }
0xa0: {  	[tilespmem:s2], [sflag:$0x1] =	stream.linear.gather [hbm4b:s11+s2], $0x8000, $0x38;
	[tilespmem:$0x18080] =	vst v63  }
0xa1: {  	_ =	swait.ge [sflag:s15], $0x8000  }
0xa2: {  	[sflag:s15] =	ssyncset.done $0x0  }
0xa3: {  	[sflag:s15] =	ssyncadd.s32 $0xFFFF8000  }
0xa4: {  	[hbm4b:s9+s2] =	stream.linear.scatter [tilespmem:s12], [sflag:$0x5], $0x8000, $0x38;
	[tilespmem:$0x18080] =	vst v63  }
0xa5: {  	_ =	swait.ge [sflag:s14], $0x8000  }
0xa6: {  	[sflag:s14] =	ssyncset.done $0x0  }
0xa7: {  	[sflag:s14] =	ssyncadd.s32 $0xFFFF8000  }
0xa8: {  	[hbm4b:s7+s2] =	stream.linear.scatter [tilespmem:s8], [sflag:$0x6], $0x8000, $0x38;
	[tilespmem:$0x18080] =	vst v63  }
0xa9: {  	_ =	swait.ge [sflag:s17], $0x8000  }
0xaa: {  	[sflag:s17] =	ssyncset.done $0x0  }
0xab: {  	[sflag:s17] =	ssyncadd.s32 $0xFFFF8000  }
0xac: {  	[hbm4b:s5+s2] =	stream.linear.scatter [tilespmem:s2], [sflag:$0x4], $0x8000, $0x38;
	[tilespmem:$0x18080] =	vst v63  }
0xad: {  	_ =	swait.ge [sflag:s6], $0x8000  }
0xae: {  	s0 =	sadd.s32 $0xFFFFFFFF, s0;
	[sflag:s6] =	ssyncset.done $0x0  }
0xaf: {  	p2 =	sne.s32 s0, $0x0;
	[sflag:s6] =	ssyncadd.s32 $0xFFFF8000  }
.Ltmp1:
0xb0: {  	_ =	swait.ge [sflag:s10], $0x8000;
	(pc) =	sbr.rel @!p2 .LBB2_3-.Ltmp1, $4  }
0xb1: {  	[sflag:s10] =	ssyncset.done $0x0  }
0xb2: {  	[sflag:s10] =	ssyncadd.s32 $0xFFFF8000  }
0xb3: {  	_ =	swait.ge [sflag:s3], $0x8000  }
0xb4: {  	p1 =	por $0x1, $0x1;
	s30 =	rddreg [dreg:$0x5];
	[sflag:s3] =	ssyncset.done $0x0  }
.LBB2_4:
0xb5: {  	[sflag:s3] =	ssyncadd.s32 $0xFFFF8000  }
0xb6: {  	[tilespmem:s2], [sflag:$0x1] =	stream.linear.gather [hbm4b:s30+s2], $0x8000, $0x38;
	[tilespmem:$0x18080] =	vst v63  }
0xb7: {  	s31 =	rddreg [dreg:$0x6]  }
0xb8: {  	[tilespmem:s12], [sflag:$0x2] =	stream.linear.gather [hbm4b:s31+s2], $0x8000, $0x38;
	[tilespmem:$0x18080] =	vst v63  }
0xb9: {  	s30 =	rddreg [dreg:$0x7]  }
0xba: {  	[tilespmem:s8], [sflag:$0x3] =	stream.linear.gather [hbm4b:s30+s2], $0x8000, $0x38;
	[tilespmem:$0x18080] =	vst v63  }
0xbb: {  	_ =	swait.ge @p0 [sflag:s28], $0x8000  }
0xbc: {  	s4 =	simm.s32 @!p0 $0x18000;
	[sflag:s28] =	ssyncset.done @p0 $0x0  }
0xbd: {  	s31 =	simm.s32 @!p0 $0x0;
	s30 =	rddreg [dreg:$0x4];
	[sflag:s28] =	ssyncadd.s32 @p0 $0xFFFF8000  }
0xbe: {  	[tilespmem:s4], [sflag:$0x7] =	stream.linear.gather @!p0 [hbm4b:s30+s31], $0x3, $0x38;
	[tilespmem:$0x18080] =	vst v63  }
0xbf: {  	_ =	swait.ge @!p0 [sflag:s29], $0x3  }
0xc0: {  	[sflag:s29] =	ssyncset.done @!p0 $0x0  }
0xc1: {  	[sflag:s29] =	ssyncadd.s32 @!p0 $0xFFFFFFFD  }
0xc2: {  	_ =	swait.ge @!p0 [sflag:s1], $0x8000  }
0xc3: {  	[sflag:s1] =	ssyncset.done @!p0 $0x0  }
0xc4: {  	[sflag:s1] =	ssyncadd.s32 @!p0 $0xFFFF8000  }
0xc5: {  	v0 =	vld @!p0 [tilespmem:$0x18000];
	_ =	sdelay $0x2  }
0xc6: {  	v1 =	vld @!p0 [tilespmem:$0x0]  }
0xc7: {  	v2 =	vld @!p0 [tilespmem:$0x80]  }
0xc8: {  	v3 =	vbroadcast @!p0 v0, $0x2  }
0xc9: {  	v4 =	vbroadcast @!p0 v0, $0x1;
	v0 =	vbroadcast @!p0 v0, $0x0  }
0xca: {  	v3 =	vnsel @!p0 vm1, $0x0, v3  }
0xcb: {  	v0 =	vnsel @!p0 vm2, $0x0, v0;
	v1 =	vadd.f32 @!p0 v3, v1  }
0xcc: {  	v3 =	vnsel @!p0 vm0, $0x0, v4;
	v0 =	vadd.f32 @!p0 v2, v0  }
0xcd: {  	v1 =	vadd.f32 @!p0 v1, v3  }
0xce: {  	[tilespmem:$0x80] =	vst @!p0 v0  }
0xcf: {  	s30 =	rddreg [dreg:$0x8];
	[tilespmem:$0x0] =	vst @!p0 v1  }
0xd0: {  	[hbm4b:s30+s2] =	stream.linear.scatter [tilespmem:s2], [sflag:$0x4], $0x8000, $0x38;
	[tilespmem:$0x18080] =	vst v63  }
0xd1: {  	_ =	swait.ge [sflag:s3], $0x8000  }
0xd2: {  	[sflag:s3] =	ssyncset.done $0x0  }
0xd3: {  	s30 =	rddreg [dreg:$0x9];
	[sflag:s3] =	ssyncadd.s32 $0xFFFF8000  }
0xd4: {  	[tilespmem:s2], [sflag:$0x1] =	stream.linear.gather [hbm4b:s30+s2], $0x8000, $0x38;
	[tilespmem:$0x18080] =	vst v63  }
0xd5: {  	_ =	swait.ge [sflag:s15], $0x8000  }
0xd6: {  	[sflag:s15] =	ssyncset.done $0x0  }
0xd7: {  	s30 =	rddreg [dreg:$0xa];
	[sflag:s15] =	ssyncadd.s32 $0xFFFF8000  }
0xd8: {  	[hbm4b:s30+s2] =	stream.linear.scatter [tilespmem:s12], [sflag:$0x5], $0x8000, $0x38;
	[tilespmem:$0x18080] =	vst v63  }
0xd9: {  	_ =	swait.ge [sflag:s6], $0x8000  }
0xda: {  	[sflag:s6] =	ssyncset.done $0x0  }
0xdb: {  	s30 =	rddreg [dreg:$0xb];
	[sflag:s6] =	ssyncadd.s32 $0xFFFF8000  }
0xdc: {  	[tilespmem:s12], [sflag:$0x2] =	stream.linear.gather [hbm4b:s30+s2], $0x8000, $0x38;
	[tilespmem:$0x18080] =	vst v63  }
0xdd: {  	_ =	swait.ge [sflag:s14], $0x8000  }
0xde: {  	[sflag:s14] =	ssyncset.done $0x0  }
0xdf: {  	s30 =	rddreg [dreg:$0xc];
	[sflag:s14] =	ssyncadd.s32 $0xFFFF8000  }
0xe0: {  	[hbm4b:s30+s2] =	stream.linear.scatter [tilespmem:s8], [sflag:$0x6], $0x8000, $0x38;
	[tilespmem:$0x18080] =	vst v63  }
0xe1: {  	_ =	swait.ge [sflag:s10], $0x8000  }
0xe2: {  	[sflag:s10] =	ssyncset.done $0x0  }
0xe3: {  	s30 =	rddreg [dreg:$0xd];
	[sflag:s10] =	ssyncadd.s32 $0xFFFF8000  }
0xe4: {  	[tilespmem:s8], [sflag:$0x3] =	stream.linear.gather [hbm4b:s30+s2], $0x8000, $0x38;
	[tilespmem:$0x18080] =	vst v63  }
0xe5: {  	_ =	swait.ge [sflag:s17], $0x8000  }
0xe6: {  	[sflag:s17] =	ssyncset.done $0x0  }
0xe7: {  	s30 =	rddreg [dreg:$0xe];
	[sflag:s17] =	ssyncadd.s32 $0xFFFF8000  }
0xe8: {  	[hbm4b:s30+s2] =	stream.linear.scatter [tilespmem:s2], [sflag:$0x4], $0x8000, $0x38;
	[tilespmem:$0x18080] =	vst v63  }
0xe9: {  	_ =	swait.ge [sflag:s3], $0x8000  }
0xea: {  	[sflag:s3] =	ssyncset.done $0x0  }
0xeb: {  	s30 =	rddreg [dreg:$0xf];
	[sflag:s3] =	ssyncadd.s32 $0xFFFF8000  }
0xec: {  	[tilespmem:s2], [sflag:$0x1] =	stream.linear.gather [hbm4b:s30+s2], $0x8000, $0x38;
	[tilespmem:$0x18080] =	vst v63  }
0xed: {  	_ =	swait.ge [sflag:s15], $0x8000  }
0xee: {  	[sflag:s15] =	ssyncset.done $0x0  }
0xef: {  	s30 =	rddreg [dreg:$0x10];
	[sflag:s15] =	ssyncadd.s32 $0xFFFF8000  }
0xf0: {  	[hbm4b:s30+s2] =	stream.linear.scatter [tilespmem:s12], [sflag:$0x5], $0x8000, $0x38;
	[tilespmem:$0x18080] =	vst v63  }
0xf1: {  	_ =	swait.ge [sflag:s6], $0x8000  }
0xf2: {  	[sflag:s6] =	ssyncset.done $0x0  }
0xf3: {  	s30 =	rddreg [dreg:$0x11];
	[sflag:s6] =	ssyncadd.s32 $0xFFFF8000  }
0xf4: {  	[tilespmem:s12], [sflag:$0x2] =	stream.linear.gather [hbm4b:s30+s2], $0x8000, $0x38;
	[tilespmem:$0x18080] =	vst v63  }
0xf5: {  	_ =	swait.ge [sflag:s14], $0x8000  }
0xf6: {  	[sflag:s14] =	ssyncset.done $0x0  }
0xf7: {  	s30 =	rddreg [dreg:$0x12];
	[sflag:s14] =	ssyncadd.s32 $0xFFFF8000  }
0xf8: {  	[hbm4b:s30+s2] =	stream.linear.scatter [tilespmem:s8], [sflag:$0x6], $0x8000, $0x38;
	[tilespmem:$0x18080] =	vst v63  }
0xf9: {  	_ =	swait.ge [sflag:s10], $0x8000  }
0xfa: {  	[sflag:s10] =	ssyncset.done $0x0  }
0xfb: {  	s30 =	rddreg [dreg:$0x13];
	[sflag:s10] =	ssyncadd.s32 $0xFFFF8000  }
0xfc: {  	[tilespmem:s8], [sflag:$0x3] =	stream.linear.gather [hbm4b:s30+s2], $0x8000, $0x38;
	[tilespmem:$0x18080] =	vst v63  }
0xfd: {  	_ =	swait.ge [sflag:s17], $0x8000  }
0xfe: {  	[sflag:s17] =	ssyncset.done $0x0  }
0xff: {  	s30 =	rddreg [dreg:$0x14];
	[sflag:s17] =	ssyncadd.s32 $0xFFFF8000  }
0x100: {  	[hbm4b:s30+s2] =	stream.linear.scatter [tilespmem:s2], [sflag:$0x4], $0x8000, $0x38;
	[tilespmem:$0x18080] =	vst v63  }
0x101: {  	_ =	swait.ge [sflag:s3], $0x8000  }
0x102: {  	[sflag:s3] =	ssyncset.done $0x0  }
0x103: {  	[sflag:s3] =	ssyncadd.s32 $0xFFFF8000  }
0x104: {  	[tilespmem:s2], [sflag:$0x1] =	stream.linear.gather [hbm4b:s26+s2], $0x8000, $0x38;
	[tilespmem:$0x18080] =	vst v63  }
0x105: {  	_ =	swait.ge [sflag:s15], $0x8000  }
0x106: {  	[sflag:s15] =	ssyncset.done $0x0  }
0x107: {  	s30 =	rddreg [dreg:$0x15];
	[sflag:s15] =	ssyncadd.s32 $0xFFFF8000  }
0x108: {  	[hbm4b:s30+s2] =	stream.linear.scatter [tilespmem:s12], [sflag:$0x5], $0x8000, $0x38;
	[tilespmem:$0x18080] =	vst v63  }
0x109: {  	_ =	swait.ge [sflag:s6], $0x8000  }
0x10a: {  	[sflag:s6] =	ssyncset.done $0x0  }
0x10b: {  	[sflag:s6] =	ssyncadd.s32 $0xFFFF8000  }
0x10c: {  	[tilespmem:s12], [sflag:$0x2] =	stream.linear.gather [hbm4b:s25+s2], $0x8000, $0x38;
	[tilespmem:$0x18080] =	vst v63  }
0x10d: {  	_ =	swait.ge [sflag:s14], $0x8000  }
0x10e: {  	[sflag:s14] =	ssyncset.done $0x0  }
0x10f: {  	[sflag:s14] =	ssyncadd.s32 $0xFFFF8000  }
0x110: {  	[hbm4b:s24+s2] =	stream.linear.scatter [tilespmem:s8], [sflag:$0x6], $0x8000, $0x38;
	[tilespmem:$0x18080] =	vst v63  }
0x111: {  	_ =	swait.ge [sflag:s10], $0x8000  }
0x112: {  	[sflag:s10] =	ssyncset.done $0x0  }
0x113: {  	[sflag:s10] =	ssyncadd.s32 $0xFFFF8000  }
0x114: {  	[tilespmem:s8], [sflag:$0x3] =	stream.linear.gather [hbm4b:s23+s2], $0x8000, $0x38;
	[tilespmem:$0x18080] =	vst v63  }
0x115: {  	_ =	swait.ge [sflag:s17], $0x8000  }
0x116: {  	[sflag:s17] =	ssyncset.done $0x0  }
0x117: {  	[sflag:s17] =	ssyncadd.s32 $0xFFFF8000  }
0x118: {  	[hbm4b:s22+s2] =	stream.linear.scatter [tilespmem:s2], [sflag:$0x4], $0x8000, $0x38;
	[tilespmem:$0x18080] =	vst v63  }
0x119: {  	_ =	swait.ge [sflag:s3], $0x8000  }
0x11a: {  	[sflag:s3] =	ssyncset.done $0x0  }
0x11b: {  	[sflag:s3] =	ssyncadd.s32 $0xFFFF8000  }
0x11c: {  	[tilespmem:s2], [sflag:$0x1] =	stream.linear.gather [hbm4b:s21+s2], $0x8000, $0x38;
	[tilespmem:$0x18080] =	vst v63  }
0x11d: {  	_ =	swait.ge [sflag:s15], $0x8000  }
0x11e: {  	[sflag:s15] =	ssyncset.done $0x0  }
0x11f: {  	[sflag:s15] =	ssyncadd.s32 $0xFFFF8000  }
0x120: {  	[hbm4b:s20+s2] =	stream.linear.scatter [tilespmem:s12], [sflag:$0x5], $0x8000, $0x38;
	[tilespmem:$0x18080] =	vst v63  }
0x121: {  	_ =	swait.ge [sflag:s6], $0x8000  }
0x122: {  	[sflag:s6] =	ssyncset.done $0x0  }
0x123: {  	[sflag:s6] =	ssyncadd.s32 $0xFFFF8000  }
0x124: {  	[tilespmem:s12], [sflag:$0x2] =	stream.linear.gather [hbm4b:s19+s2], $0x8000, $0x38;
	[tilespmem:$0x18080] =	vst v63  }
0x125: {  	_ =	swait.ge [sflag:s14], $0x8000  }
0x126: {  	[sflag:s14] =	ssyncset.done $0x0  }
0x127: {  	[sflag:s14] =	ssyncadd.s32 $0xFFFF8000  }
0x128: {  	[hbm4b:s18+s2] =	stream.linear.scatter [tilespmem:s8], [sflag:$0x6], $0x8000, $0x38;
	[tilespmem:$0x18080] =	vst v63  }
0x129: {  	_ =	swait.ge [sflag:s10], $0x8000  }
0x12a: {  	[sflag:s10] =	ssyncset.done $0x0  }
0x12b: {  	[sflag:s10] =	ssyncadd.s32 $0xFFFF8000  }
0x12c: {  	[tilespmem:s8], [sflag:$0x3] =	stream.linear.gather [hbm4b:s16+s2], $0x8000, $0x38;
	[tilespmem:$0x18080] =	vst v63  }
0x12d: {  	_ =	swait.ge [sflag:s17], $0x8000  }
0x12e: {  	[sflag:s17] =	ssyncset.done $0x0  }
0x12f: {  	[sflag:s17] =	ssyncadd.s32 $0xFFFF8000  }
0x130: {  	[hbm4b:s13+s2] =	stream.linear.scatter [tilespmem:s2], [sflag:$0x4], $0x8000, $0x38;
	[tilespmem:$0x18080] =	vst v63  }
0x131: {  	_ =	swait.ge [sflag:s3], $0x8000  }
0x132: {  	[sflag:s3] =	ssyncset.done $0x0  }
0x133: {  	[sflag:s3] =	ssyncadd.s32 $0xFFFF8000  }
0x134: {  	[tilespmem:s2], [sflag:$0x1] =	stream.linear.gather [hbm4b:s11+s2], $0x8000, $0x38;
	[tilespmem:$0x18080] =	vst v63  }
0x135: {  	_ =	swait.ge [sflag:s15], $0x8000  }
0x136: {  	[sflag:s15] =	ssyncset.done $0x0  }
0x137: {  	[sflag:s15] =	ssyncadd.s32 $0xFFFF8000  }
0x138: {  	[hbm4b:s9+s2] =	stream.linear.scatter [tilespmem:s12], [sflag:$0x5], $0x8000, $0x38;
	[tilespmem:$0x18080] =	vst v63  }
0x139: {  	_ =	swait.ge [sflag:s14], $0x8000  }
0x13a: {  	[sflag:s14] =	ssyncset.done $0x0  }
0x13b: {  	[sflag:s14] =	ssyncadd.s32 $0xFFFF8000  }
0x13c: {  	[hbm4b:s7+s2] =	stream.linear.scatter [tilespmem:s8], [sflag:$0x6], $0x8000, $0x38;
	[tilespmem:$0x18080] =	vst v63  }
0x13d: {  	_ =	swait.ge [sflag:s17], $0x8000  }
0x13e: {  	[sflag:s17] =	ssyncset.done $0x0  }
0x13f: {  	[sflag:s17] =	ssyncadd.s32 $0xFFFF8000  }
0x140: {  	[hbm4b:s5+s2] =	stream.linear.scatter [tilespmem:s2], [sflag:$0x4], $0x8000, $0x38;
	[tilespmem:$0x18080] =	vst v63  }
0x141: {  	_ =	swait.ge [sflag:s6], $0x8000  }
0x142: {  	s0 =	sadd.s32 $0xFFFFFFFF, s0;
	[sflag:s6] =	ssyncset.done $0x0  }
0x143: {  	p2 =	sne.s32 s0, $0x0;
	[sflag:s6] =	ssyncadd.s32 $0xFFFF8000  }
.Ltmp2:
0x144: {  	_ =	swait.ge [sflag:s10], $0x8000;
	(pc) =	sbr.rel @p2 .LBB2_4-.Ltmp2, $4  }
0x145: {  	[sflag:s10] =	ssyncset.done $0x0  }
0x146: {  	[sflag:s10] =	ssyncadd.s32 $0xFFFF8000  }
0x147: {  	_ =	swait.ge [sflag:s3], $0x8000  }
0x148: {  	s30 =	rddreg [dreg:$0x5];
	[sflag:s3] =	ssyncset.done $0x0  }
0x149: {  	s4 =	smov.u32 s5;
	s5 =	smov.u32 s26;
	s26 =	rddreg [dreg:$0x15]  }
0x14a: {  	s29 =	stileid.u32;
	s31 =	rddreg [dreg:$0x3]  }
.LBB2_6:
0x14b: {  	[sflag:s3] =	ssyncadd.s32 @p1 $0xFFFF8000  }
0x14c: {  	[tilespmem:s2], [sflag:$0x1] =	stream.linear.gather [hbm4b:s30+s2], $0x8000, $0x38;
	[tilespmem:$0x18080] =	vst v63  }
0x14d: {  	s0 =	rddreg [dreg:$0x6]  }
0x14e: {  	[tilespmem:s12], [sflag:$0x2] =	stream.linear.gather [hbm4b:s0+s2], $0x8000, $0x38;
	[tilespmem:$0x18080] =	vst v63  }
0x14f: {  	s1 =	rddreg [dreg:$0x7];
	s0 =	simm.s32 @p0 $0x1  }
0x150: {  	[tilespmem:s8], [sflag:$0x3] =	stream.linear.gather [hbm4b:s1+s2], $0x8000, $0x38;
	[tilespmem:$0x18080] =	vst v63  }
0x151: {  	_ =	swait.ge @p0 [sflag:s0], $0x8000  }
0x152: {  	s28 =	simm.s32 @!p0 $0x18000;
	[sflag:s0] =	ssyncset.done @p0 $0x0  }
0x153: {  	s1 =	rddreg [dreg:$0x4];
	[sflag:s0] =	ssyncadd.s32 @p0 $0xFFFF8000;
	s0 =	simm.s32 @!p0 $0x0  }
0x154: {  	[tilespmem:s28], [sflag:$0x7] =	stream.linear.gather @!p0 [hbm4b:s1+s0], $0x3, $0x38;
	[tilespmem:$0x18080] =	vst v63  }
0x155: {  	s0 =	simm.s32 @!p0 $0x7  }
0x156: {  	_ =	swait.ge @!p0 [sflag:s0], $0x3  }
0x157: {  	[sflag:s0] =	ssyncset.done @!p0 $0x0  }
0x158: {  	[sflag:s0] =	ssyncadd.s32 @!p0 $0xFFFFFFFD;
	s0 =	simm.s32 @!p0 $0x1  }
0x159: {  	_ =	swait.ge @!p0 [sflag:s0], $0x8000  }
0x15a: {  	[sflag:s0] =	ssyncset.done @!p0 $0x0  }
0x15b: {  	[sflag:s0] =	ssyncadd.s32 @!p0 $0xFFFF8000  }
0x15c: {  	v0 =	vld @!p0 [tilespmem:$0x18000];
	_ =	sdelay $0x2  }
0x15d: {  	v1 =	vld @!p0 [tilespmem:$0x0]  }
0x15e: {  	v2 =	vld @!p0 [tilespmem:$0x80]  }
0x15f: {  	v3 =	vbroadcast @!p0 v0, $0x2  }
0x160: {  	v4 =	vbroadcast @!p0 v0, $0x0  }
0x161: {  	v0 =	vbroadcast @!p0 v0, $0x1;
	v3 =	vnsel @!p0 vm1, $0x0, v3  }
0x162: {  	v1 =	vadd.f32 @!p0 v3, v1;
	v3 =	vnsel @!p0 vm2, $0x0, v4  }
0x163: {  	v0 =	vnsel @!p0 vm0, $0x0, v0;
	v2 =	vadd.f32 @!p0 v2, v3  }
0x164: {  	v0 =	vadd.f32 @!p0 v1, v0  }
0x165: {  	[tilespmem:$0x80] =	vst @!p0 v2  }
0x166: {  	s30 =	rddreg [dreg:$0x8];
	[tilespmem:$0x0] =	vst @!p0 v0  }
0x167: {  	[hbm4b:s30+s2] =	stream.linear.scatter [tilespmem:s2], [sflag:$0x4], $0x8000, $0x38;
	[tilespmem:$0x18080] =	vst v63  }
0x168: {  	_ =	swait.ge [sflag:s3], $0x8000  }
0x169: {  	[sflag:s3] =	ssyncset.done $0x0  }
0x16a: {  	s1 =	rddreg [dreg:$0x9];
	[sflag:s3] =	ssyncadd.s32 $0xFFFF8000  }
0x16b: {  	[tilespmem:s2], [sflag:$0x1] =	stream.linear.gather [hbm4b:s1+s2], $0x8000, $0x38;
	[tilespmem:$0x18080] =	vst v63  }
0x16c: {  	_ =	swait.ge [sflag:s15], $0x8000  }
0x16d: {  	[sflag:s15] =	ssyncset.done $0x0  }
0x16e: {  	s28 =	rddreg [dreg:$0xa];
	[sflag:s15] =	ssyncadd.s32 $0xFFFF8000  }
0x16f: {  	[hbm4b:s28+s2] =	stream.linear.scatter [tilespmem:s12], [sflag:$0x5], $0x8000, $0x38;
	[tilespmem:$0x18080] =	vst v63  }
0x170: {  	_ =	swait.ge [sflag:s6], $0x8000  }
0x171: {  	[sflag:s6] =	ssyncset.done $0x0  }
0x172: {  	s30 =	rddreg [dreg:$0xb];
	[sflag:s6] =	ssyncadd.s32 $0xFFFF8000  }
0x173: {  	[tilespmem:s12], [sflag:$0x2] =	stream.linear.gather [hbm4b:s30+s2], $0x8000, $0x38;
	[tilespmem:$0x18080] =	vst v63  }
0x174: {  	_ =	swait.ge [sflag:s14], $0x8000  }
0x175: {  	[sflag:s14] =	ssyncset.done $0x0  }
0x176: {  	s1 =	rddreg [dreg:$0xc];
	[sflag:s14] =	ssyncadd.s32 $0xFFFF8000  }
0x177: {  	[hbm4b:s1+s2] =	stream.linear.scatter [tilespmem:s8], [sflag:$0x6], $0x8000, $0x38;
	[tilespmem:$0x18080] =	vst v63  }
0x178: {  	_ =	swait.ge [sflag:s10], $0x8000  }
0x179: {  	[sflag:s10] =	ssyncset.done $0x0  }
0x17a: {  	s28 =	rddreg [dreg:$0xd];
	[sflag:s10] =	ssyncadd.s32 $0xFFFF8000  }
0x17b: {  	[tilespmem:s8], [sflag:$0x3] =	stream.linear.gather [hbm4b:s28+s2], $0x8000, $0x38;
	[tilespmem:$0x18080] =	vst v63  }
0x17c: {  	_ =	swait.ge [sflag:s17], $0x8000  }
0x17d: {  	[sflag:s17] =	ssyncset.done $0x0  }
0x17e: {  	s30 =	rddreg [dreg:$0xe];
	[sflag:s17] =	ssyncadd.s32 $0xFFFF8000  }
0x17f: {  	[hbm4b:s30+s2] =	stream.linear.scatter [tilespmem:s2], [sflag:$0x4], $0x8000, $0x38;
	[tilespmem:$0x18080] =	vst v63  }
0x180: {  	_ =	swait.ge [sflag:s3], $0x8000  }
0x181: {  	[sflag:s3] =	ssyncset.done $0x0  }
0x182: {  	s1 =	rddreg [dreg:$0xf];
	[sflag:s3] =	ssyncadd.s32 $0xFFFF8000  }
0x183: {  	[tilespmem:s2], [sflag:$0x1] =	stream.linear.gather [hbm4b:s1+s2], $0x8000, $0x38;
	[tilespmem:$0x18080] =	vst v63  }
0x184: {  	_ =	swait.ge [sflag:s15], $0x8000  }
0x185: {  	[sflag:s15] =	ssyncset.done $0x0  }
0x186: {  	s28 =	rddreg [dreg:$0x10];
	[sflag:s15] =	ssyncadd.s32 $0xFFFF8000  }
0x187: {  	[hbm4b:s28+s2] =	stream.linear.scatter [tilespmem:s12], [sflag:$0x5], $0x8000, $0x38;
	[tilespmem:$0x18080] =	vst v63  }
0x188: {  	_ =	swait.ge [sflag:s6], $0x8000  }
0x189: {  	[sflag:s6] =	ssyncset.done $0x0  }
0x18a: {  	s30 =	rddreg [dreg:$0x11];
	[sflag:s6] =	ssyncadd.s32 $0xFFFF8000  }
0x18b: {  	[tilespmem:s12], [sflag:$0x2] =	stream.linear.gather [hbm4b:s30+s2], $0x8000, $0x38;
	[tilespmem:$0x18080] =	vst v63  }
0x18c: {  	_ =	swait.ge [sflag:s14], $0x8000  }
0x18d: {  	[sflag:s14] =	ssyncset.done $0x0  }
0x18e: {  	s1 =	rddreg [dreg:$0x12];
	[sflag:s14] =	ssyncadd.s32 $0xFFFF8000  }
0x18f: {  	[hbm4b:s1+s2] =	stream.linear.scatter [tilespmem:s8], [sflag:$0x6], $0x8000, $0x38;
	[tilespmem:$0x18080] =	vst v63  }
0x190: {  	_ =	swait.ge [sflag:s10], $0x8000  }
0x191: {  	[sflag:s10] =	ssyncset.done $0x0  }
0x192: {  	s28 =	rddreg [dreg:$0x13];
	[sflag:s10] =	ssyncadd.s32 $0xFFFF8000  }
0x193: {  	[tilespmem:s8], [sflag:$0x3] =	stream.linear.gather [hbm4b:s28+s2], $0x8000, $0x38;
	[tilespmem:$0x18080] =	vst v63  }
0x194: {  	_ =	swait.ge [sflag:s17], $0x8000  }
0x195: {  	[sflag:s17] =	ssyncset.done $0x0  }
0x196: {  	s30 =	rddreg [dreg:$0x14];
	[sflag:s17] =	ssyncadd.s32 $0xFFFF8000  }
0x197: {  	[hbm4b:s30+s2] =	stream.linear.scatter [tilespmem:s2], [sflag:$0x4], $0x8000, $0x38;
	[tilespmem:$0x18080] =	vst v63  }
0x198: {  	_ =	swait.ge [sflag:s3], $0x8000  }
0x199: {  	[sflag:s3] =	ssyncset.done $0x0  }
0x19a: {  	[sflag:s3] =	ssyncadd.s32 $0xFFFF8000  }
0x19b: {  	[tilespmem:s2], [sflag:$0x1] =	stream.linear.gather [hbm4b:s5+s2], $0x8000, $0x38;
	[tilespmem:$0x18080] =	vst v63  }
0x19c: {  	_ =	swait.ge [sflag:s15], $0x8000  }
0x19d: {  	[sflag:s15] =	ssyncset.done $0x0  }
0x19e: {  	[sflag:s15] =	ssyncadd.s32 $0xFFFF8000  }
0x19f: {  	[hbm4b:s26+s2] =	stream.linear.scatter [tilespmem:s12], [sflag:$0x5], $0x8000, $0x38;
	[tilespmem:$0x18080] =	vst v63  }
0x1a0: {  	_ =	swait.ge [sflag:s6], $0x8000  }
0x1a1: {  	[sflag:s6] =	ssyncset.done $0x0  }
0x1a2: {  	[sflag:s6] =	ssyncadd.s32 $0xFFFF8000  }
0x1a3: {  	[tilespmem:s12], [sflag:$0x2] =	stream.linear.gather [hbm4b:s25+s2], $0x8000, $0x38;
	[tilespmem:$0x18080] =	vst v63  }
0x1a4: {  	_ =	swait.ge [sflag:s14], $0x8000  }
0x1a5: {  	[sflag:s14] =	ssyncset.done $0x0  }
0x1a6: {  	[sflag:s14] =	ssyncadd.s32 $0xFFFF8000  }
0x1a7: {  	[hbm4b:s24+s2] =	stream.linear.scatter [tilespmem:s8], [sflag:$0x6], $0x8000, $0x38;
	[tilespmem:$0x18080] =	vst v63  }
0x1a8: {  	_ =	swait.ge [sflag:s10], $0x8000  }
0x1a9: {  	[sflag:s10] =	ssyncset.done $0x0  }
0x1aa: {  	[sflag:s10] =	ssyncadd.s32 $0xFFFF8000  }
0x1ab: {  	[tilespmem:s8], [sflag:$0x3] =	stream.linear.gather [hbm4b:s23+s2], $0x8000, $0x38;
	[tilespmem:$0x18080] =	vst v63  }
0x1ac: {  	_ =	swait.ge [sflag:s17], $0x8000  }
0x1ad: {  	[sflag:s17] =	ssyncset.done $0x0  }
0x1ae: {  	[sflag:s17] =	ssyncadd.s32 $0xFFFF8000  }
0x1af: {  	[hbm4b:s22+s2] =	stream.linear.scatter [tilespmem:s2], [sflag:$0x4], $0x8000, $0x38;
	[tilespmem:$0x18080] =	vst v63  }
0x1b0: {  	_ =	swait.ge [sflag:s3], $0x8000  }
0x1b1: {  	[sflag:s3] =	ssyncset.done $0x0  }
0x1b2: {  	[sflag:s3] =	ssyncadd.s32 $0xFFFF8000  }
0x1b3: {  	[tilespmem:s2], [sflag:$0x1] =	stream.linear.gather [hbm4b:s21+s2], $0x8000, $0x38;
	[tilespmem:$0x18080] =	vst v63  }
0x1b4: {  	_ =	swait.ge [sflag:s15], $0x8000  }
0x1b5: {  	[sflag:s15] =	ssyncset.done $0x0  }
0x1b6: {  	[sflag:s15] =	ssyncadd.s32 $0xFFFF8000  }
0x1b7: {  	[hbm4b:s20+s2] =	stream.linear.scatter [tilespmem:s12], [sflag:$0x5], $0x8000, $0x38;
	[tilespmem:$0x18080] =	vst v63  }
0x1b8: {  	_ =	swait.ge [sflag:s6], $0x8000  }
0x1b9: {  	[sflag:s6] =	ssyncset.done $0x0  }
0x1ba: {  	[sflag:s6] =	ssyncadd.s32 $0xFFFF8000  }
0x1bb: {  	[tilespmem:s12], [sflag:$0x2] =	stream.linear.gather [hbm4b:s19+s2], $0x8000, $0x38;
	[tilespmem:$0x18080] =	vst v63  }
0x1bc: {  	_ =	swait.ge [sflag:s14], $0x8000  }
0x1bd: {  	[sflag:s14] =	ssyncset.done $0x0  }
0x1be: {  	[sflag:s14] =	ssyncadd.s32 $0xFFFF8000  }
0x1bf: {  	[hbm4b:s18+s2] =	stream.linear.scatter [tilespmem:s8], [sflag:$0x6], $0x8000, $0x38;
	[tilespmem:$0x18080] =	vst v63  }
0x1c0: {  	_ =	swait.ge [sflag:s10], $0x8000  }
0x1c1: {  	[sflag:s10] =	ssyncset.done $0x0  }
0x1c2: {  	[sflag:s10] =	ssyncadd.s32 $0xFFFF8000  }
0x1c3: {  	[tilespmem:s8], [sflag:$0x3] =	stream.linear.gather [hbm4b:s16+s2], $0x8000, $0x38;
	[tilespmem:$0x18080] =	vst v63  }
0x1c4: {  	_ =	swait.ge [sflag:s17], $0x8000  }
0x1c5: {  	[sflag:s17] =	ssyncset.done $0x0  }
0x1c6: {  	[sflag:s17] =	ssyncadd.s32 $0xFFFF8000  }
0x1c7: {  	[hbm4b:s13+s2] =	stream.linear.scatter [tilespmem:s2], [sflag:$0x4], $0x8000, $0x38;
	[tilespmem:$0x18080] =	vst v63  }
0x1c8: {  	_ =	swait.ge [sflag:s3], $0x8000  }
0x1c9: {  	[sflag:s3] =	ssyncset.done $0x0  }
0x1ca: {  	[sflag:s3] =	ssyncadd.s32 $0xFFFF8000  }
0x1cb: {  	[tilespmem:s2], [sflag:$0x1] =	stream.linear.gather [hbm4b:s11+s2], $0x8000, $0x38;
	[tilespmem:$0x18080] =	vst v63  }
0x1cc: {  	_ =	swait.ge [sflag:s15], $0x8000  }
0x1cd: {  	[sflag:s15] =	ssyncset.done $0x0  }
0x1ce: {  	[sflag:s15] =	ssyncadd.s32 $0xFFFF8000  }
0x1cf: {  	[hbm4b:s9+s2] =	stream.linear.scatter [tilespmem:s12], [sflag:$0x5], $0x8000, $0x38;
	[tilespmem:$0x18080] =	vst v63  }
0x1d0: {  	_ =	swait.ge [sflag:s14], $0x8000  }
0x1d1: {  	[sflag:s14] =	ssyncset.done $0x0  }
0x1d2: {  	[sflag:s14] =	ssyncadd.s32 $0xFFFF8000  }
0x1d3: {  	[hbm4b:s7+s2] =	stream.linear.scatter [tilespmem:s8], [sflag:$0x6], $0x8000, $0x38;
	[tilespmem:$0x18080] =	vst v63  }
0x1d4: {  	_ =	swait.ge [sflag:s17], $0x8000  }
0x1d5: {  	[sflag:s17] =	ssyncset.done $0x0  }
0x1d6: {  	[sflag:s17] =	ssyncadd.s32 $0xFFFF8000  }
0x1d7: {  	[hbm4b:s4+s2] =	stream.linear.scatter [tilespmem:s2], [sflag:$0x4], $0x8000, $0x38;
	[tilespmem:$0x18080] =	vst v63  }
0x1d8: {  	_ =	swait.ge [sflag:s6], $0x8000  }
0x1d9: {  	[sflag:s6] =	ssyncset.done $0x0  }
0x1da: {  	[sflag:s6] =	ssyncadd.s32 $0xFFFF8000  }
0x1db: {  	_ =	swait.ge [sflag:s10], $0x8000  }
0x1dc: {  	[sflag:s10] =	ssyncset.done $0x0  }
0x1dd: {  	[sflag:s10] =	ssyncadd.s32 $0xFFFF8000  }
0x1de: {  	_ =	swait.ge [sflag:s3], $0x8000  }
0x1df: {  	[sflag:s3] =	ssyncset.done $0x0  }
0x1e0: {  	[sflag:s3] =	ssyncadd.s32 $0xFFFF8000  }
0x1e1: {  	_ =	sfence.sel $0x180000  }
0x1e2: {  	[bflag:$0x0] =	sbarrier.arrive $0xFFFF  }
0x1e3: {  	p0 =	sne.s32 s29, $0x0;
	_ =	strace $0x90000047  }
0x1e4: {  	s0 =	sadd.s32 @!p0 $0x100000, s31;
	[bflag:$0x2] =	sbarrier.arrive $0xFFFF  }
0x1e5: {  	[sflag:s0] =	ssyncadd.tile.s32 @!p0 $0x1;
	_ =	shalt  }
.LBB2_1:
.Ltmp3:
0x1e6: {  	(pc) =	sbr.rel .LBB2_6-.Ltmp3, $2  }
0x1e7: {  	_ =	sdelay $0x2  }
0x1e8: {  	s5 =	smov.u32 s26;
	s26 =	rddreg [dreg:$0x15]  }
.LBB2_3:
.Ltmp4:
0x1e9: {  	(pc) =	sbr.rel .LBB2_6-.Ltmp4, $3  }
0x1ea: {  	_ =	sdelay $0x1  }
0x1eb: {  	s4 =	smov.u32 s5;
	s5 =	smov.u32 s26;
	s26 =	rddreg [dreg:$0x15]  }
0x1ec: {  	s29 =	stileid.u32;
	s31 =	rddreg [dreg:$0x3]  }
.Lfunc_end2:
_tile_overlayer_lowered:
.L_overlay_start_2:
0x1ed: {  	(tag) =	ssettag $0x2  }
0x1ee: {  	s0 =	rddreg [dreg:$0x0];
	s2 =	stileid.u32  }
0x1ef: {  	s1 =	rddreg [dreg:$0x1];
	p0 =	sne.s32 s2, $0x0  }
0x1f0: {  	s3 =	rddreg [dreg:$0x2];
	[bflag:$0x3] =	sbarrier.arrive $0xFFFF;
	s2 =	simm.s32 @!p0 $0x1C08  }
0x1f1: {  	[timem:s3], [sflag:s2] =	dma.local @!p0 [hbm:s0], s1  }
0x1f2: {  	s0 =	simm.s32 @!p0 $0x8  }
0x1f3: {  	_ =	swait.ge @!p0 [sflag:s0], s1  }
0x1f4: {  	s1 =	ssub.s32 @!p0 $0x0, s1;
	[sflag:s0] =	ssyncset.done @!p0 $0x0  }
0x1f5: {  	[sflag:s0] =	ssyncadd.s32 @!p0 s1  }
0x1f6: {  	[bflag:$0x3] =	sbarrier.arrive $0xFFFF  }
0x1f7: {  	_ =	shalt  }

</sc_bundles>
